<compile_context>
chip_gen: v7x
topology: tpu7x:2x2x1
jax: 0.10.2.dev20260603
libtpu: 0.0.44.dev20260713+nightly
codegen_flags: <defaults>
</compile_context>

<pallas_src>
import functools

import jax
import jax.numpy as jnp
from jax import lax
from jax.experimental import pallas as pl
from jax.experimental.pallas import tpu as pltpu
from jax.experimental.pallas import tpu_sc as plsc

NC = 2
NS = 16
L = 16
K = 128
D = 128
ZR = 16


def _round_up(x, m):
    return (x + m - 1) // m * m


def _hist_call(npad, nblk):
    nb_tile = nblk // NS
    rows_t = npad // NS
    mesh = plsc.VectorSubcoreMesh(core_axis_name="c", subcore_axis_name="s")

    @functools.partial(
        pl.kernel,
        out_type=jax.ShapeDtypeStruct((NC * npad, L), jnp.float32),
        mesh=mesh,
        scratch_types=[
            pltpu.VMEM_SHARED((npad, L), jnp.float32),
            pltpu.VMEM((nb_tile, K), jnp.int32),
            pltpu.VMEM((K, L), jnp.float32),
            pltpu.VMEM((rows_t, L), jnp.float32),
        ],
    )
    def hist(gloc_hbm, h_out, h_s, idx_v, ones_v, zbuf):
        c = lax.axis_index("c")
        s = lax.axis_index("s")

        @pl.loop(0, K)
        def _(i):
            ones_v[i, :] = jnp.full((L,), 1.0, jnp.float32)

        @pl.loop(0, rows_t)
        def _(i):
            zbuf[i, :] = jnp.zeros((L,), jnp.float32)

        pltpu.sync_copy(zbuf, h_s.at[pl.ds(s * rows_t, rows_t)])
        plsc.subcore_barrier()

        pltpu.sync_copy(gloc_hbm.at[c, pl.ds(s * nb_tile, nb_tile)], idx_v)

        @pl.loop(0, nb_tile)
        def _(j):
            pltpu.sync_copy(ones_v, h_s.at[idx_v.at[j]], add=True)

        plsc.subcore_barrier()
        pltpu.sync_copy(h_s.at[pl.ds(s * rows_t, rows_t)],
                        h_out.at[pl.ds(c * npad + s * rows_t, rows_t)])

    return hist


def _prop_call(npad, nblk):
    nb_tile = nblk // NS
    rows_t = npad // NS
    mesh = plsc.VectorSubcoreMesh(core_axis_name="c", subcore_axis_name="s")

    @functools.partial(
        pl.kernel,
        out_type=jax.ShapeDtypeStruct((NC * npad, D), jnp.float32),
        mesh=mesh,
        scratch_types=[
            pltpu.VMEM_SHARED((npad, D), jnp.float32),
            pltpu.VMEM((nb_tile, K), jnp.int32),
            pltpu.VMEM((nb_tile, K), jnp.int32),
            pltpu.VMEM((K, D), jnp.float32),
            pltpu.VMEM((K, D), jnp.float32),
            pltpu.VMEM((K, D), jnp.float32),
            pltpu.VMEM((K, D), jnp.float32),
            pltpu.VMEM((ZR, D), jnp.float32),
            pltpu.SemaphoreType.DMA,
            pltpu.SemaphoreType.DMA,
            pltpu.SemaphoreType.DMA,
            pltpu.SemaphoreType.DMA,
            pltpu.SemaphoreType.DMA,
            pltpu.SemaphoreType.DMA,
            pltpu.SemaphoreType.DMA,
            pltpu.SemaphoreType.DMA,
        ],
    )
    def prop(y_hbm, ggath_hbm, gloc_hbm, z_out, acc_s,
             gidx_v, sidx_v, ga, gb, gc, gd, zbuf,
             gs0, gs1, gs2, gs3, ss0, ss1, ss2, ss3):
        c = lax.axis_index("c")
        s = lax.axis_index("s")
        o = jnp.int32(1) - c

        @pl.loop(0, ZR)
        def _(i):
            @pl.loop(0, D, step=L)
            def _(j):
                zbuf[i, pl.ds(j, L)] = jnp.zeros((L,), jnp.float32)

        @pl.loop(0, rows_t, step=ZR)
        def _(r):
            pltpu.sync_copy(zbuf, acc_s.at[pl.ds(s * rows_t + r, ZR)])

        plsc.subcore_barrier()

        isl = pl.ds(s * nb_tile, nb_tile)
        pltpu.sync_copy(ggath_hbm.at[c, isl], gidx_v)
        pltpu.sync_copy(gloc_hbm.at[o, isl], sidx_v)

        bufs = (ga, gb, gc, gd)
        gsems = (gs0, gs1, gs2, gs3)
        ssems = (ss0, ss1, ss2, ss3)
        for b in range(3):
            pltpu.async_copy(y_hbm.at[gidx_v.at[b]], bufs[b], gsems[b])

        @pl.loop(0, nb_tile, step=4)
        def _(j):
            for b in range(4):
                n = j + b
                bn = (b + 3) % 4

                @pl.when(n >= 1)
                def _():
                    pltpu.make_async_copy(
                        bufs[bn], acc_s.at[sidx_v.at[n - 1]],
                        ssems[bn]).wait()

                @pl.when(n + 3 < nb_tile)
                def _():
                    pltpu.async_copy(
                        y_hbm.at[gidx_v.at[n + 3]], bufs[bn], gsems[bn])

                pltpu.make_async_copy(
                    y_hbm.at[gidx_v.at[n]], bufs[b], gsems[b]).wait()
                pltpu.async_copy(bufs[b], acc_s.at[sidx_v.at[n]], ssems[b],
                                 add=True)

        t = nb_tile - 1
        pltpu.make_async_copy(
            bufs[t % 4], acc_s.at[sidx_v.at[t]], ssems[t % 4]).wait()

        plsc.subcore_barrier()
        pltpu.sync_copy(acc_s.at[pl.ds(s * rows_t, rows_t)],
                        z_out.at[pl.ds(o * npad + s * rows_t, rows_t)])

    return prop


def _d_of(h_ref, blk):
    return jnp.broadcast_to(lax.rsqrt(h_ref[:, 0:1] + 1e-7), (blk, D))


def _tc_scale_call(n2, blk=640):
    grid = n2 // blk

    def body(h_ref, x_ref, y_ref):
        y_ref[...] = _d_of(h_ref, blk) * x_ref[...]

    h_spec = pl.BlockSpec((blk, L), lambda i: (i, 0))
    x_spec = pl.BlockSpec((blk, D), lambda i: (i, 0))
    return pl.pallas_call(
        body,
        grid=(grid,),
        in_specs=[h_spec, x_spec],
        out_specs=x_spec,
        out_shape=jax.ShapeDtypeStruct((n2, D), jnp.float32),
    )


def _tc_y1_call(n2, blk=640):
    grid = n2 // blk

    def body(h_ref, z_ref, y1_ref):
        d = _d_of(h_ref, blk)
        y1_ref[...] = d * (d * z_ref[...])

    h_spec = pl.BlockSpec((blk, L), lambda i: (i, 0))
    x_spec = pl.BlockSpec((blk, D), lambda i: (i, 0))
    return pl.pallas_call(
        body,
        grid=(grid,),
        in_specs=[h_spec, x_spec],
        out_specs=x_spec,
        out_shape=jax.ShapeDtypeStruct((n2, D), jnp.float32),
    )


def _tc_final_call(n2, blk=640):
    grid = n2 // blk

    def body(h_ref, x_ref, z1_ref, z2_ref, o_ref):
        d = _d_of(h_ref, blk)
        o_ref[...] = (x_ref[...] + d * (z1_ref[...] + z2_ref[...])) * (1.0 / 3.0)

    h_spec = pl.BlockSpec((blk, L), lambda i: (i, 0))
    x_spec = pl.BlockSpec((blk, D), lambda i: (i, 0))
    return pl.pallas_call(
        body,
        grid=(grid,),
        in_specs=[h_spec, x_spec, x_spec, x_spec],
        out_specs=x_spec,
        out_shape=jax.ShapeDtypeStruct((n2, D), jnp.float32),
    )


def kernel(user_emb, item_emb, inter_row, inter_col):
    n_users, dim = user_emb.shape
    n_items = item_emb.shape[0]
    nnz = inter_row.shape[0]
    assert dim == D

    npad = _round_up(max(n_users, n_items) + 1, NS * ZR)
    n2 = NC * npad
    epad = _round_up(nnz, NS * K * 2)
    nblk = epad // K

    x = jnp.zeros((n2, D), jnp.float32)
    x = x.at[:n_users].set(user_emb).at[npad:npad + n_items].set(item_emb)
    row = jnp.concatenate([
        inter_row.astype(jnp.int32),
        jnp.full((epad - nnz,), n_users, jnp.int32)]).reshape(nblk, K)
    col = jnp.concatenate([
        inter_col.astype(jnp.int32),
        jnp.full((epad - nnz,), n_items, jnp.int32)]).reshape(nblk, K)
    gloc = jnp.stack([row, col])
    ggath = jnp.stack([row, col + npad])

    h = _hist_call(npad, nblk)(gloc)
    y0 = _tc_scale_call(n2)(h, x)
    z1 = _prop_call(npad, nblk)(y0, ggath, gloc)
    y1 = _tc_y1_call(n2)(h, z1)
    z2 = _prop_call(npad, nblk)(y1, ggath, gloc)
    out = _tc_final_call(n2)(h, x, z1, z2)
    return out[:n_users], out[npad:npad + n_items]

# --- scband reference (transcript-rebuilt; emitter-appended) ---
"""Pipeline reference for scband-encoder-77180562309324 (READ-ONLY COPY).

The authoritative reference and input builder live on the scoring server;
editing this copy changes nothing except your own understanding.
"""

import jax, jax.numpy as jnp
import numpy as np

N_USERS = 5000
N_ITEMS = 5000
DIM = 128
NNZ = 160000
N_LAYERS = 2


def setup_inputs(seed: int = 0) -> dict:
    key = jax.random.key(seed)
    k1, k2, k3, k4 = jax.random.split(key, 4)
    return {
        "user_emb": jax.random.normal(k1, (N_USERS, DIM), dtype=jnp.float32) * 0.1,
        "item_emb": jax.random.normal(k2, (N_ITEMS, DIM), dtype=jnp.float32) * 0.1,
        "inter_row": jax.random.randint(k3, (NNZ,), 0, N_USERS, dtype=jnp.int64 if jax.config.jax_enable_x64 else jnp.int32),
        "inter_col": jax.random.randint(k4, (NNZ,), 0, N_ITEMS, dtype=jnp.int64 if jax.config.jax_enable_x64 else jnp.int32),
    }


def reference(user_emb, item_emb, inter_row, inter_col):
    n_users = user_emb.shape[0]
    n_items = item_emb.shape[0]
    n_nodes = n_users + n_items

    # Symmetrize bipartite interaction matrix: A = [[0, R], [R^T, 0]]
    src = jnp.concatenate([inter_row, inter_col + n_users])
    dst = jnp.concatenate([inter_col + n_users, inter_row])

    # Degree normalization L = D^{-1/2} A D^{-1/2}
    deg = jnp.zeros((n_nodes,), dtype=jnp.float32).at[src].add(1.0) + 1e-07
    d_inv_sqrt = jnp.power(deg, -0.5)
    edge_w = d_inv_sqrt[src] * d_inv_sqrt[dst]

    # LightGCN propagation: repeated sparse mm + mean over layers
    x = jnp.concatenate([user_emb, item_emb], axis=0)
    embeddings_list = [x]
    for _ in range(N_LAYERS):
        msg = edge_w[:, None] * jnp.take(x, dst, axis=0)
        x = jnp.zeros((n_nodes, x.shape[1]), dtype=x.dtype).at[src].add(msg)
        embeddings_list.append(x)
    all_emb = jnp.mean(jnp.stack(embeddings_list, axis=1), axis=1)
    user_all = all_emb[:n_users]
    item_all = all_emb[n_users:]
    return user_all, item_all

if __name__ == "__main__":
    import jax
    _d = setup_inputs()
    print(jax.jit(kernel)(*tuple(_d.values())))

</pallas_src>

<mosaic_0001>
#map = affine_map<(d0, d1) -> (0, 0)>
#map1 = affine_map<(d0, d1) -> (0, 0, 0)>
module attributes {stable_mosaic.version = 14 : i64} {
  func.func @prop(%arg0: i32, %arg1: i32, %arg2: memref<10240x128xf32, #tpu.memory_space<hbm>>, %arg3: memref<2x1280x128xi32, #tpu.memory_space<hbm>>, %arg4: memref<2x1280x128xi32, #tpu.memory_space<hbm>>, %arg5: memref<10240x128xf32, #tpu.memory_space<hbm>>, %arg6: memref<5120x128xf32, #tpu.memory_space<vmem_shared>>, %arg7: memref<80x128xi32, #tpu.memory_space<vmem>>, %arg8: memref<80x128xi32, #tpu.memory_space<vmem>>, %arg9: memref<128x128xf32, #tpu.memory_space<vmem>>, %arg10: memref<128x128xf32, #tpu.memory_space<vmem>>, %arg11: memref<128x128xf32, #tpu.memory_space<vmem>>, %arg12: memref<128x128xf32, #tpu.memory_space<vmem>>, %arg13: memref<16x128xf32, #tpu.memory_space<vmem>>, %arg14: memref<!tpu.dma_semaphore, #tpu.memory_space<semaphore_mem>>, %arg15: memref<!tpu.dma_semaphore, #tpu.memory_space<semaphore_mem>>, %arg16: memref<!tpu.dma_semaphore, #tpu.memory_space<semaphore_mem>>, %arg17: memref<!tpu.dma_semaphore, #tpu.memory_space<semaphore_mem>>, %arg18: memref<!tpu.dma_semaphore, #tpu.memory_space<semaphore_mem>>, %arg19: memref<!tpu.dma_semaphore, #tpu.memory_space<semaphore_mem>>, %arg20: memref<!tpu.dma_semaphore, #tpu.memory_space<semaphore_mem>>, %arg21: memref<!tpu.dma_semaphore, #tpu.memory_space<semaphore_mem>>) attributes {dimension_semantics = [#tpu.dimension_semantics<core_parallel>, #tpu.dimension_semantics<subcore_parallel>], iteration_bounds = array<i64: 2, 16>, scalar_prefetch = 0 : i64, scratch_operands = 16 : i64, tpu.core_type = #tpu.core_type<sc_vector_subcore>, window_params = [{transform_indices = #map}, {transform_indices = #map1}, {transform_indices = #map1}, {transform_indices = #map}]} {
    %sub3A = arith.constant 1 : i32
    %sub3A_0 = arith.subi %sub3A, %arg0 : i32
    %scan3A = arith.constant 0 : i32
    %scan3A_1 = arith.constant 16 : i32
    %scan3A_2 = arith.addi %scan3A, %scan3A_1 : i32
    %scan3A_3 = arith.constant 1 : i32
    scf.for %scan3A_49 = %scan3A to %scan3A_2 step %scan3A_3  : i32 {
      %mul3A_50 = arith.constant 1 : i32
      %mul3A_51 = arith.muli %scan3A_49, %mul3A_50 : i32
      %add3A_52 = arith.constant 0 : i32
      %add3A_53 = arith.addi %add3A_52, %mul3A_51 : i32
      %scan3A_54 = arith.constant 0 : i32
      %scan3A_55 = arith.constant 8 : i32
      %scan3A_56 = arith.addi %scan3A_54, %scan3A_55 : i32
      %scan3A_57 = arith.constant 1 : i32
      scf.for %scan3A_59 = %scan3A_54 to %scan3A_56 step %scan3A_57  : i32 {
        %mul3A_60 = arith.constant 16 : i32
        %mul3A_61 = arith.muli %scan3A_59, %mul3A_60 : i32
        %add3A_62 = arith.constant 0 : i32
        %add3A_63 = arith.addi %add3A_62, %mul3A_61 : i32
        %broadcast_in_dim3A = arith.constant 0.000000e+00 : f32
        %broadcast_in_dim3A_64 = vector.broadcast %broadcast_in_dim3A : f32 to vector<16xf32>
        %swap3A = arith.index_cast %add3A_53 : i32 to index
        %swap3A_65 = arith.index_cast %add3A_63 : i32 to index
        %swap3A_66 = tpu.vector_load %arg13[%swap3A, %swap3A_65] {strides = array<i32>} : memref<16x128xf32, #tpu.memory_space<vmem>>, vector<1x16xf32>,
        %swap3A_67 = vector.shape_cast %swap3A_66 : vector<1x16xf32> to vector<16xf32>
        %swap3A_68 = vector.shape_cast %broadcast_in_dim3A_64 : vector<16xf32> to vector<1x16xf32>
        tpu.vector_store %arg13[%swap3A, %swap3A_65], %swap3A_68 {strides = array<i32>} : memref<16x128xf32, #tpu.memory_space<vmem>>, vector<1x16xf32>,
      }
      %scan3A_58 = arith.constant 8 : i32
    }
    %scan3A_4 = arith.constant 16 : i32
    %scan3A_5 = arith.constant 0 : i32
    %scan3A_6 = arith.constant 20 : i32
    %scan3A_7 = arith.addi %scan3A_5, %scan3A_6 : i32
    %scan3A_8 = arith.constant 1 : i32
    scf.for %scan3A_49 = %scan3A_5 to %scan3A_7 step %scan3A_8  : i32 {
      %mul3A_50 = arith.constant 16 : i32
      %mul3A_51 = arith.muli %scan3A_49, %mul3A_50 : i32
      %add3A_52 = arith.constant 0 : i32
      %add3A_53 = arith.addi %add3A_52, %mul3A_51 : i32
      %mul3A_54 = arith.constant 320 : i32
      %mul3A_55 = arith.muli %arg1, %mul3A_54 : i32
      %add3A_56 = arith.addi %mul3A_55, %add3A_53 : i32
      "tpu.region"() ({
        %run_scoped3A = tpu.sem_alloc : memref<!tpu.dma_semaphore, #tpu.memory_space<semaphore_mem>>
        %dma_start3A_57 = arith.constant 0 : i32
        %dma_start3A_58 = tpu.memref_slice %arg6[%add3A_56, %dma_start3A_57] : memref<5120x128xf32, #tpu.memory_space<vmem_shared>> -> memref<16x128xf32, #tpu.memory_space<vmem_shared>>
        %dma_start3A_59 = arith.constant 0 : i32
        %dma_start3A_60 = tpu.memref_slice %arg6[%add3A_56, %dma_start3A_59] : memref<5120x128xf32, #tpu.memory_space<vmem_shared>> -> memref<16x128xf32, #tpu.memory_space<vmem_shared>>
        tpu.enqueue_dma source(%arg13 : memref<16x128xf32, #tpu.memory_space<vmem>>) target(%dma_start3A_60 : memref<16x128xf32, #tpu.memory_space<vmem_shared>>) target_semaphore(%run_scoped3A : memref<!tpu.dma_semaphore, #tpu.memory_space<semaphore_mem>>)
        %dma_wait3A_61 = arith.constant 0 : i32
        %dma_wait3A_62 = tpu.memref_slice %arg6[%add3A_56, %dma_wait3A_61] : memref<5120x128xf32, #tpu.memory_space<vmem_shared>> -> memref<16x128xf32, #tpu.memory_space<vmem_shared>>
        %dma_wait3A_63 = arith.constant 0 : i32
        %dma_wait3A_64 = tpu.memref_slice %arg6[%add3A_56, %dma_wait3A_63] : memref<5120x128xf32, #tpu.memory_space<vmem_shared>> -> memref<16x128xf32, #tpu.memory_space<vmem_shared>>
        tpu.wait_dma2 semaphore(%run_scoped3A : memref<!tpu.dma_semaphore, #tpu.memory_space<semaphore_mem>>) src(%arg13 : memref<16x128xf32, #tpu.memory_space<vmem>>) dst(%dma_wait3A_64 : memref<16x128xf32, #tpu.memory_space<vmem_shared>>)
        tpu.yield
      }) : () -> ()
    }
    %scan3A_9 = arith.constant 20 : i32
    %barrier3A = arith.constant 0 : index
    tpu.barrier barrier_id(%barrier3A)
    %mul3A = arith.constant 80 : i32
    %mul3A_10 = arith.muli %arg1, %mul3A : i32
    "tpu.region"() ({
      %run_scoped3A = tpu.sem_alloc : memref<!tpu.dma_semaphore, #tpu.memory_space<semaphore_mem>>
      %dma_start3A_49 = arith.constant 0 : i32
      %dma_start3A_50 = tpu.memref_slice %arg3[%arg0, %mul3A_10, %dma_start3A_49] : memref<2x1280x128xi32, #tpu.memory_space<hbm>> -> memref<1x80x128xi32, #tpu.memory_space<hbm>>
      %dma_start3A_51 = tpu.memref_squeeze %dma_start3A_50 : memref<1x80x128xi32, #tpu.memory_space<hbm>> -> memref<80x128xi32, #tpu.memory_space<hbm>>
      %dma_start3A_52 = arith.constant 0 : i32
      %dma_start3A_53 = tpu.memref_slice %arg3[%arg0, %mul3A_10, %dma_start3A_52] : memref<2x1280x128xi32, #tpu.memory_space<hbm>> -> memref<1x80x128xi32, #tpu.memory_space<hbm>>
      %dma_start3A_54 = tpu.memref_squeeze %dma_start3A_53 : memref<1x80x128xi32, #tpu.memory_space<hbm>> -> memref<80x128xi32, #tpu.memory_space<hbm>>
      tpu.enqueue_dma source(%dma_start3A_54 : memref<80x128xi32, #tpu.memory_space<hbm>>) target(%arg7 : memref<80x128xi32, #tpu.memory_space<vmem>>) target_semaphore(%run_scoped3A : memref<!tpu.dma_semaphore, #tpu.memory_space<semaphore_mem>>)
      %dma_wait3A_55 = arith.constant 0 : i32
      %dma_wait3A_56 = tpu.memref_slice %arg3[%arg0, %mul3A_10, %dma_wait3A_55] : memref<2x1280x128xi32, #tpu.memory_space<hbm>> -> memref<1x80x128xi32, #tpu.memory_space<hbm>>
      %dma_wait3A_57 = tpu.memref_squeeze %dma_wait3A_56 : memref<1x80x128xi32, #tpu.memory_space<hbm>> -> memref<80x128xi32, #tpu.memory_space<hbm>>
      %dma_wait3A_58 = arith.constant 0 : i32
      %dma_wait3A_59 = tpu.memref_slice %arg3[%arg0, %mul3A_10, %dma_wait3A_58] : memref<2x1280x128xi32, #tpu.memory_space<hbm>> -> memref<1x80x128xi32, #tpu.memory_space<hbm>>
      %dma_wait3A_60 = tpu.memref_squeeze %dma_wait3A_59 : memref<1x80x128xi32, #tpu.memory_space<hbm>> -> memref<80x128xi32, #tpu.memory_space<hbm>>
      tpu.wait_dma2 semaphore(%run_scoped3A : memref<!tpu.dma_semaphore, #tpu.memory_space<semaphore_mem>>) src(%dma_wait3A_60 : memref<80x128xi32, #tpu.memory_space<hbm>>) dst(%arg7 : memref<80x128xi32, #tpu.memory_space<vmem>>)
      tpu.yield
    }) : () -> ()
    "tpu.region"() ({
      %run_scoped3A = tpu.sem_alloc : memref<!tpu.dma_semaphore, #tpu.memory_space<semaphore_mem>>
      %dma_start3A_49 = arith.constant 0 : i32
      %dma_start3A_50 = tpu.memref_slice %arg4[%sub3A_0, %mul3A_10, %dma_start3A_49] : memref<2x1280x128xi32, #tpu.memory_space<hbm>> -> memref<1x80x128xi32, #tpu.memory_space<hbm>>
      %dma_start3A_51 = tpu.memref_squeeze %dma_start3A_50 : memref<1x80x128xi32, #tpu.memory_space<hbm>> -> memref<80x128xi32, #tpu.memory_space<hbm>>
      %dma_start3A_52 = arith.constant 0 : i32
      %dma_start3A_53 = tpu.memref_slice %arg4[%sub3A_0, %mul3A_10, %dma_start3A_52] : memref<2x1280x128xi32, #tpu.memory_space<hbm>> -> memref<1x80x128xi32, #tpu.memory_space<hbm>>
      %dma_start3A_54 = tpu.memref_squeeze %dma_start3A_53 : memref<1x80x128xi32, #tpu.memory_space<hbm>> -> memref<80x128xi32, #tpu.memory_space<hbm>>
      tpu.enqueue_dma source(%dma_start3A_54 : memref<80x128xi32, #tpu.memory_space<hbm>>) target(%arg8 : memref<80x128xi32, #tpu.memory_space<vmem>>) target_semaphore(%run_scoped3A : memref<!tpu.dma_semaphore, #tpu.memory_space<semaphore_mem>>)
      %dma_wait3A_55 = arith.constant 0 : i32
      %dma_wait3A_56 = tpu.memref_slice %arg4[%sub3A_0, %mul3A_10, %dma_wait3A_55] : memref<2x1280x128xi32, #tpu.memory_space<hbm>> -> memref<1x80x128xi32, #tpu.memory_space<hbm>>
      %dma_wait3A_57 = tpu.memref_squeeze %dma_wait3A_56 : memref<1x80x128xi32, #tpu.memory_space<hbm>> -> memref<80x128xi32, #tpu.memory_space<hbm>>
      %dma_wait3A_58 = arith.constant 0 : i32
      %dma_wait3A_59 = tpu.memref_slice %arg4[%sub3A_0, %mul3A_10, %dma_wait3A_58] : memref<2x1280x128xi32, #tpu.memory_space<hbm>> -> memref<1x80x128xi32, #tpu.memory_space<hbm>>
      %dma_wait3A_60 = tpu.memref_squeeze %dma_wait3A_59 : memref<1x80x128xi32, #tpu.memory_space<hbm>> -> memref<80x128xi32, #tpu.memory_space<hbm>>
      tpu.wait_dma2 semaphore(%run_scoped3A : memref<!tpu.dma_semaphore, #tpu.memory_space<semaphore_mem>>) src(%dma_wait3A_60 : memref<80x128xi32, #tpu.memory_space<hbm>>) dst(%arg8 : memref<80x128xi32, #tpu.memory_space<vmem>>)
      tpu.yield
    }) : () -> ()
    %dma_start3A = arith.constant 0 : i32
    %dma_start3A_11 = arith.constant 0 : i32
    %dma_start3A_12 = tpu.memref_slice %arg7[%dma_start3A, %dma_start3A_11] : memref<80x128xi32, #tpu.memory_space<vmem>> -> memref<1x128xi32, #tpu.memory_space<vmem>>
    %dma_start3A_13 = tpu.memref_squeeze %dma_start3A_12 : memref<1x128xi32, #tpu.memory_space<vmem>> -> memref<128xi32, #tpu.memory_space<vmem>>
    %dma_start3A_14 = arith.constant 0 : i32
    %dma_start3A_15 = arith.constant 0 : i32
    %dma_start3A_16 = tpu.memref_slice %arg2[%dma_start3A_14, %dma_start3A_15] : memref<10240x128xf32, #tpu.memory_space<hbm>> -> memref<10240x128xf32, #tpu.memory_space<hbm>>
    tpu.enqueue_indirect_dma source(%dma_start3A_16 : memref<10240x128xf32, #tpu.memory_space<hbm>>) target(%arg9 : memref<128x128xf32, #tpu.memory_space<vmem>>) offsets(%dma_start3A_13 : memref<128xi32, #tpu.memory_space<vmem>>) semaphore(%arg14 : memref<!tpu.dma_semaphore, #tpu.memory_space<semaphore_mem>>)
    %dma_start3A_17 = arith.constant 1 : i32
    %dma_start3A_18 = arith.constant 0 : i32
    %dma_start3A_19 = tpu.memref_slice %arg7[%dma_start3A_17, %dma_start3A_18] : memref<80x128xi32, #tpu.memory_space<vmem>> -> memref<1x128xi32, #tpu.memory_space<vmem>>
    %dma_start3A_20 = tpu.memref_squeeze %dma_start3A_19 : memref<1x128xi32, #tpu.memory_space<vmem>> -> memref<128xi32, #tpu.memory_space<vmem>>
    %dma_start3A_21 = arith.constant 0 : i32
    %dma_start3A_22 = arith.constant 0 : i32
    %dma_start3A_23 = tpu.memref_slice %arg2[%dma_start3A_21, %dma_start3A_22] : memref<10240x128xf32, #tpu.memory_space<hbm>> -> memref<10240x128xf32, #tpu.memory_space<hbm>>
    tpu.enqueue_indirect_dma source(%dma_start3A_23 : memref<10240x128xf32, #tpu.memory_space<hbm>>) target(%arg10 : memref<128x128xf32, #tpu.memory_space<vmem>>) offsets(%dma_start3A_20 : memref<128xi32, #tpu.memory_space<vmem>>) semaphore(%arg15 : memref<!tpu.dma_semaphore, #tpu.memory_space<semaphore_mem>>)
    %dma_start3A_24 = arith.constant 2 : i32
    %dma_start3A_25 = arith.constant 0 : i32
    %dma_start3A_26 = tpu.memref_slice %arg7[%dma_start3A_24, %dma_start3A_25] : memref<80x128xi32, #tpu.memory_space<vmem>> -> memref<1x128xi32, #tpu.memory_space<vmem>>
    %dma_start3A_27 = tpu.memref_squeeze %dma_start3A_26 : memref<1x128xi32, #tpu.memory_space<vmem>> -> memref<128xi32, #tpu.memory_space<vmem>>
    %dma_start3A_28 = arith.constant 0 : i32
    %dma_start3A_29 = arith.constant 0 : i32
    %dma_start3A_30 = tpu.memref_slice %arg2[%dma_start3A_28, %dma_start3A_29] : memref<10240x128xf32, #tpu.memory_space<hbm>> -> memref<10240x128xf32, #tpu.memory_space<hbm>>
    tpu.enqueue_indirect_dma source(%dma_start3A_30 : memref<10240x128xf32, #tpu.memory_space<hbm>>) target(%arg11 : memref<128x128xf32, #tpu.memory_space<vmem>>) offsets(%dma_start3A_27 : memref<128xi32, #tpu.memory_space<vmem>>) semaphore(%arg16 : memref<!tpu.dma_semaphore, #tpu.memory_space<semaphore_mem>>)
    %scan3A_31 = arith.constant 0 : i32
    %scan3A_32 = arith.constant 20 : i32
    %scan3A_33 = arith.addi %scan3A_31, %scan3A_32 : i32
    %scan3A_34 = arith.constant 1 : i32
    scf.for %scan3A_49 = %scan3A_31 to %scan3A_33 step %scan3A_34  : i32 {
      %mul3A_50 = arith.constant 4 : i32
      %mul3A_51 = arith.muli %scan3A_49, %mul3A_50 : i32
      %add3A_52 = arith.constant 0 : i32
      %add3A_53 = arith.addi %add3A_52, %mul3A_51 : i32
      %add3A_54 = arith.constant 0 : i32
      %add3A_55 = arith.addi %add3A_53, %add3A_54 : i32
      %ge3A = arith.constant 1 : i32
      %ge3A_56 = arith.cmpi sge, %add3A_55, %ge3A : i32
      %convert_element_type3A = arith.extui %ge3A_56 : i1 to i32
      %cond3A = arith.constant 0 : i32
      %cond3A_57 = arith.cmpi ne, %convert_element_type3A, %cond3A : i32
      scf.if %cond3A_57 {
        %sub3A_154 = arith.constant 1 : i32
        %sub3A_155 = arith.subi %add3A_55, %sub3A_154 : i32
        %dma_wait3A_156 = arith.constant 0 : i32
        %dma_wait3A_157 = tpu.memref_slice %arg8[%sub3A_155, %dma_wait3A_156] : memref<80x128xi32, #tpu.memory_space<vmem>> -> memref<1x128xi32, #tpu.memory_space<vmem>>
        %dma_wait3A_158 = tpu.memref_squeeze %dma_wait3A_157 : memref<1x128xi32, #tpu.memory_space<vmem>> -> memref<128xi32, #tpu.memory_space<vmem>>
        %dma_wait3A_159 = arith.constant 0 : i32
        %dma_wait3A_160 = arith.constant 0 : i32
        %dma_wait3A_161 = tpu.memref_slice %arg6[%dma_wait3A_159, %dma_wait3A_160] : memref<5120x128xf32, #tpu.memory_space<vmem_shared>> -> memref<5120x128xf32, #tpu.memory_space<vmem_shared>>
        tpu.wait_indirect_dma semaphore(%arg21 : memref<!tpu.dma_semaphore, #tpu.memory_space<semaphore_mem>>) src(%arg12 : memref<128x128xf32, #tpu.memory_space<vmem>>) dst(%dma_wait3A_161 : memref<5120x128xf32, #tpu.memory_space<vmem_shared>>)
      } else {
      }
      %add3A_58 = arith.constant 3 : i32
      %add3A_59 = arith.addi %add3A_55, %add3A_58 : i32
      %lt3A = arith.constant 80 : i32
      %lt3A_60 = arith.cmpi slt, %add3A_59, %lt3A : i32
      %convert_element_type3A_61 = arith.extui %lt3A_60 : i1 to i32
      %cond3A_62 = arith.constant 0 : i32
      %cond3A_63 = arith.cmpi ne, %convert_element_type3A_61, %cond3A_62 : i32
      scf.if %cond3A_63 {
        %add3A_154 = arith.constant 3 : i32
        %add3A_155 = arith.addi %add3A_55, %add3A_154 : i32
        %dma_start3A_156 = arith.constant 0 : i32
        %dma_start3A_157 = tpu.memref_slice %arg7[%add3A_155, %dma_start3A_156] : memref<80x128xi32, #tpu.memory_space<vmem>> -> memref<1x128xi32, #tpu.memory_space<vmem>>
        %dma_start3A_158 = tpu.memref_squeeze %dma_start3A_157 : memref<1x128xi32, #tpu.memory_space<vmem>> -> memref<128xi32, #tpu.memory_space<vmem>>
        %dma_start3A_159 = arith.constant 0 : i32
        %dma_start3A_160 = arith.constant 0 : i32
        %dma_start3A_161 = tpu.memref_slice %arg2[%dma_start3A_159, %dma_start3A_160] : memref<10240x128xf32, #tpu.memory_space<hbm>> -> memref<10240x128xf32, #tpu.memory_space<hbm>>
        tpu.enqueue_indirect_dma source(%dma_start3A_161 : memref<10240x128xf32, #tpu.memory_space<hbm>>) target(%arg12 : memref<128x128xf32, #tpu.memory_space<vmem>>) offsets(%dma_start3A_158 : memref<128xi32, #tpu.memory_space<vmem>>) semaphore(%arg17 : memref<!tpu.dma_semaphore, #tpu.memory_space<semaphore_mem>>)
      } else {
      }
      %dma_wait3A_64 = arith.constant 0 : i32
      %dma_wait3A_65 = tpu.memref_slice %arg7[%add3A_55, %dma_wait3A_64] : memref<80x128xi32, #tpu.memory_space<vmem>> -> memref<1x128xi32, #tpu.memory_space<vmem>>
      %dma_wait3A_66 = tpu.memref_squeeze %dma_wait3A_65 : memref<1x128xi32, #tpu.memory_space<vmem>> -> memref<128xi32, #tpu.memory_space<vmem>>
      %dma_wait3A_67 = arith.constant 0 : i32
      %dma_wait3A_68 = arith.constant 0 : i32
      %dma_wait3A_69 = tpu.memref_slice %arg2[%dma_wait3A_67, %dma_wait3A_68] : memref<10240x128xf32, #tpu.memory_space<hbm>> -> memref<10240x128xf32, #tpu.memory_space<hbm>>
      tpu.wait_indirect_dma semaphore(%arg14 : memref<!tpu.dma_semaphore, #tpu.memory_space<semaphore_mem>>) src(%dma_wait3A_69 : memref<10240x128xf32, #tpu.memory_space<hbm>>) dst(%arg9 : memref<128x128xf32, #tpu.memory_space<vmem>>)
      %dma_start3A_70 = arith.constant 0 : i32
      %dma_start3A_71 = tpu.memref_slice %arg8[%add3A_55, %dma_start3A_70] : memref<80x128xi32, #tpu.memory_space<vmem>> -> memref<1x128xi32, #tpu.memory_space<vmem>>
      %dma_start3A_72 = tpu.memref_squeeze %dma_start3A_71 : memref<1x128xi32, #tpu.memory_space<vmem>> -> memref<128xi32, #tpu.memory_space<vmem>>
      %dma_start3A_73 = arith.constant 0 : i32
      %dma_start3A_74 = arith.constant 0 : i32
      %dma_start3A_75 = tpu.memref_slice %arg6[%dma_start3A_73, %dma_start3A_74] : memref<5120x128xf32, #tpu.memory_space<vmem_shared>> -> memref<5120x128xf32, #tpu.memory_space<vmem_shared>>
      tpu.enqueue_indirect_dma source(%arg9 : memref<128x128xf32, #tpu.memory_space<vmem>>) target(%dma_start3A_75 : memref<5120x128xf32, #tpu.memory_space<vmem_shared>>) offsets(%dma_start3A_72 : memref<128xi32, #tpu.memory_space<vmem>>) semaphore(%arg18 : memref<!tpu.dma_semaphore, #tpu.memory_space<semaphore_mem>>) {add = true}
      %add3A_76 = arith.constant 1 : i32
      %add3A_77 = arith.addi %add3A_53, %add3A_76 : i32
      %ge3A_78 = arith.constant 1 : i32
      %ge3A_79 = arith.cmpi sge, %add3A_77, %ge3A_78 : i32
      %convert_element_type3A_80 = arith.extui %ge3A_79 : i1 to i32
      %cond3A_81 = arith.constant 0 : i32
      %cond3A_82 = arith.cmpi ne, %convert_element_type3A_80, %cond3A_81 : i32
      scf.if %cond3A_82 {
        %sub3A_154 = arith.constant 1 : i32
        %sub3A_155 = arith.subi %add3A_77, %sub3A_154 : i32
        %dma_wait3A_156 = arith.constant 0 : i32
        %dma_wait3A_157 = tpu.memref_slice %arg8[%sub3A_155, %dma_wait3A_156] : memref<80x128xi32, #tpu.memory_space<vmem>> -> memref<1x128xi32, #tpu.memory_space<vmem>>
        %dma_wait3A_158 = tpu.memref_squeeze %dma_wait3A_157 : memref<1x128xi32, #tpu.memory_space<vmem>> -> memref<128xi32, #tpu.memory_space<vmem>>
        %dma_wait3A_159 = arith.constant 0 : i32
        %dma_wait3A_160 = arith.constant 0 : i32
        %dma_wait3A_161 = tpu.memref_slice %arg6[%dma_wait3A_159, %dma_wait3A_160] : memref<5120x128xf32, #tpu.memory_space<vmem_shared>> -> memref<5120x128xf32, #tpu.memory_space<vmem_shared>>
        tpu.wait_indirect_dma semaphore(%arg18 : memref<!tpu.dma_semaphore, #tpu.memory_space<semaphore_mem>>) src(%arg9 : memref<128x128xf32, #tpu.memory_space<vmem>>) dst(%dma_wait3A_161 : memref<5120x128xf32, #tpu.memory_space<vmem_shared>>)
      } else {
      }
      %add3A_83 = arith.constant 3 : i32
      %add3A_84 = arith.addi %add3A_77, %add3A_83 : i32
      %lt3A_85 = arith.constant 80 : i32
      %lt3A_86 = arith.cmpi slt, %add3A_84, %lt3A_85 : i32
      %convert_element_type3A_87 = arith.extui %lt3A_86 : i1 to i32
      %cond3A_88 = arith.constant 0 : i32
      %cond3A_89 = arith.cmpi ne, %convert_element_type3A_87, %cond3A_88 : i32
      scf.if %cond3A_89 {
        %add3A_154 = arith.constant 3 : i32
        %add3A_155 = arith.addi %add3A_77, %add3A_154 : i32
        %dma_start3A_156 = arith.constant 0 : i32
        %dma_start3A_157 = tpu.memref_slice %arg7[%add3A_155, %dma_start3A_156] : memref<80x128xi32, #tpu.memory_space<vmem>> -> memref<1x128xi32, #tpu.memory_space<vmem>>
        %dma_start3A_158 = tpu.memref_squeeze %dma_start3A_157 : memref<1x128xi32, #tpu.memory_space<vmem>> -> memref<128xi32, #tpu.memory_space<vmem>>
        %dma_start3A_159 = arith.constant 0 : i32
        %dma_start3A_160 = arith.constant 0 : i32
        %dma_start3A_161 = tpu.memref_slice %arg2[%dma_start3A_159, %dma_start3A_160] : memref<10240x128xf32, #tpu.memory_space<hbm>> -> memref<10240x128xf32, #tpu.memory_space<hbm>>
        tpu.enqueue_indirect_dma source(%dma_start3A_161 : memref<10240x128xf32, #tpu.memory_space<hbm>>) target(%arg9 : memref<128x128xf32, #tpu.memory_space<vmem>>) offsets(%dma_start3A_158 : memref<128xi32, #tpu.memory_space<vmem>>) semaphore(%arg14 : memref<!tpu.dma_semaphore, #tpu.memory_space<semaphore_mem>>)
      } else {
      }
      %dma_wait3A_90 = arith.constant 0 : i32
      %dma_wait3A_91 = tpu.memref_slice %arg7[%add3A_77, %dma_wait3A_90] : memref<80x128xi32, #tpu.memory_space<vmem>> -> memref<1x128xi32, #tpu.memory_space<vmem>>
      %dma_wait3A_92 = tpu.memref_squeeze %dma_wait3A_91 : memref<1x128xi32, #tpu.memory_space<vmem>> -> memref<128xi32, #tpu.memory_space<vmem>>
      %dma_wait3A_93 = arith.constant 0 : i32
      %dma_wait3A_94 = arith.constant 0 : i32
      %dma_wait3A_95 = tpu.memref_slice %arg2[%dma_wait3A_93, %dma_wait3A_94] : memref<10240x128xf32, #tpu.memory_space<hbm>> -> memref<10240x128xf32, #tpu.memory_space<hbm>>
      tpu.wait_indirect_dma semaphore(%arg15 : memref<!tpu.dma_semaphore, #tpu.memory_space<semaphore_mem>>) src(%dma_wait3A_95 : memref<10240x128xf32, #tpu.memory_space<hbm>>) dst(%arg10 : memref<128x128xf32, #tpu.memory_space<vmem>>)
      %dma_start3A_96 = arith.constant 0 : i32
      %dma_start3A_97 = tpu.memref_slice %arg8[%add3A_77, %dma_start3A_96] : memref<80x128xi32, #tpu.memory_space<vmem>> -> memref<1x128xi32, #tpu.memory_space<vmem>>
      %dma_start3A_98 = tpu.memref_squeeze %dma_start3A_97 : memref<1x128xi32, #tpu.memory_space<vmem>> -> memref<128xi32, #tpu.memory_space<vmem>>
      %dma_start3A_99 = arith.constant 0 : i32
      %dma_start3A_100 = arith.constant 0 : i32
      %dma_start3A_101 = tpu.memref_slice %arg6[%dma_start3A_99, %dma_start3A_100] : memref<5120x128xf32, #tpu.memory_space<vmem_shared>> -> memref<5120x128xf32, #tpu.memory_space<vmem_shared>>
      tpu.enqueue_indirect_dma source(%arg10 : memref<128x128xf32, #tpu.memory_space<vmem>>) target(%dma_start3A_101 : memref<5120x128xf32, #tpu.memory_space<vmem_shared>>) offsets(%dma_start3A_98 : memref<128xi32, #tpu.memory_space<vmem>>) semaphore(%arg19 : memref<!tpu.dma_semaphore, #tpu.memory_space<semaphore_mem>>) {add = true}
      %add3A_102 = arith.constant 2 : i32
      %add3A_103 = arith.addi %add3A_53, %add3A_102 : i32
      %ge3A_104 = arith.constant 1 : i32
      %ge3A_105 = arith.cmpi sge, %add3A_103, %ge3A_104 : i32
      %convert_element_type3A_106 = arith.extui %ge3A_105 : i1 to i32
      %cond3A_107 = arith.constant 0 : i32
      %cond3A_108 = arith.cmpi ne, %convert_element_type3A_106, %cond3A_107 : i32
      scf.if %cond3A_108 {
        %sub3A_154 = arith.constant 1 : i32
        %sub3A_155 = arith.subi %add3A_103, %sub3A_154 : i32
        %dma_wait3A_156 = arith.constant 0 : i32
        %dma_wait3A_157 = tpu.memref_slice %arg8[%sub3A_155, %dma_wait3A_156] : memref<80x128xi32, #tpu.memory_space<vmem>> -> memref<1x128xi32, #tpu.memory_space<vmem>>
        %dma_wait3A_158 = tpu.memref_squeeze %dma_wait3A_157 : memref<1x128xi32, #tpu.memory_space<vmem>> -> memref<128xi32, #tpu.memory_space<vmem>>
        %dma_wait3A_159 = arith.constant 0 : i32
        %dma_wait3A_160 = arith.constant 0 : i32
        %dma_wait3A_161 = tpu.memref_slice %arg6[%dma_wait3A_159, %dma_wait3A_160] : memref<5120x128xf32, #tpu.memory_space<vmem_shared>> -> memref<5120x128xf32, #tpu.memory_space<vmem_shared>>
        tpu.wait_indirect_dma semaphore(%arg19 : memref<!tpu.dma_semaphore, #tpu.memory_space<semaphore_mem>>) src(%arg10 : memref<128x128xf32, #tpu.memory_space<vmem>>) dst(%dma_wait3A_161 : memref<5120x128xf32, #tpu.memory_space<vmem_shared>>)
      } else {
      }
      %add3A_109 = arith.constant 3 : i32
      %add3A_110 = arith.addi %add3A_103, %add3A_109 : i32
      %lt3A_111 = arith.constant 80 : i32
      %lt3A_112 = arith.cmpi slt, %add3A_110, %lt3A_111 : i32
      %convert_element_type3A_113 = arith.extui %lt3A_112 : i1 to i32
      %cond3A_114 = arith.constant 0 : i32
      %cond3A_115 = arith.cmpi ne, %convert_element_type3A_113, %cond3A_114 : i32
      scf.if %cond3A_115 {
        %add3A_154 = arith.constant 3 : i32
        %add3A_155 = arith.addi %add3A_103, %add3A_154 : i32
        %dma_start3A_156 = arith.constant 0 : i32
        %dma_start3A_157 = tpu.memref_slice %arg7[%add3A_155, %dma_start3A_156] : memref<80x128xi32, #tpu.memory_space<vmem>> -> memref<1x128xi32, #tpu.memory_space<vmem>>
        %dma_start3A_158 = tpu.memref_squeeze %dma_start3A_157 : memref<1x128xi32, #tpu.memory_space<vmem>> -> memref<128xi32, #tpu.memory_space<vmem>>
        %dma_start3A_159 = arith.constant 0 : i32
        %dma_start3A_160 = arith.constant 0 : i32
        %dma_start3A_161 = tpu.memref_slice %arg2[%dma_start3A_159, %dma_start3A_160] : memref<10240x128xf32, #tpu.memory_space<hbm>> -> memref<10240x128xf32, #tpu.memory_space<hbm>>
        tpu.enqueue_indirect_dma source(%dma_start3A_161 : memref<10240x128xf32, #tpu.memory_space<hbm>>) target(%arg10 : memref<128x128xf32, #tpu.memory_space<vmem>>) offsets(%dma_start3A_158 : memref<128xi32, #tpu.memory_space<vmem>>) semaphore(%arg15 : memref<!tpu.dma_semaphore, #tpu.memory_space<semaphore_mem>>)
      } else {
      }
      %dma_wait3A_116 = arith.constant 0 : i32
      %dma_wait3A_117 = tpu.memref_slice %arg7[%add3A_103, %dma_wait3A_116] : memref<80x128xi32, #tpu.memory_space<vmem>> -> memref<1x128xi32, #tpu.memory_space<vmem>>
      %dma_wait3A_118 = tpu.memref_squeeze %dma_wait3A_117 : memref<1x128xi32, #tpu.memory_space<vmem>> -> memref<128xi32, #tpu.memory_space<vmem>>
      %dma_wait3A_119 = arith.constant 0 : i32
      %dma_wait3A_120 = arith.constant 0 : i32
      %dma_wait3A_121 = tpu.memref_slice %arg2[%dma_wait3A_119, %dma_wait3A_120] : memref<10240x128xf32, #tpu.memory_space<hbm>> -> memref<10240x128xf32, #tpu.memory_space<hbm>>
      tpu.wait_indirect_dma semaphore(%arg16 : memref<!tpu.dma_semaphore, #tpu.memory_space<semaphore_mem>>) src(%dma_wait3A_121 : memref<10240x128xf32, #tpu.memory_space<hbm>>) dst(%arg11 : memref<128x128xf32, #tpu.memory_space<vmem>>)
      %dma_start3A_122 = arith.constant 0 : i32
      %dma_start3A_123 = tpu.memref_slice %arg8[%add3A_103, %dma_start3A_122] : memref<80x128xi32, #tpu.memory_space<vmem>> -> memref<1x128xi32, #tpu.memory_space<vmem>>
      %dma_start3A_124 = tpu.memref_squeeze %dma_start3A_123 : memref<1x128xi32, #tpu.memory_space<vmem>> -> memref<128xi32, #tpu.memory_space<vmem>>
      %dma_start3A_125 = arith.constant 0 : i32
      %dma_start3A_126 = arith.constant 0 : i32
      %dma_start3A_127 = tpu.memref_slice %arg6[%dma_start3A_125, %dma_start3A_126] : memref<5120x128xf32, #tpu.memory_space<vmem_shared>> -> memref<5120x128xf32, #tpu.memory_space<vmem_shared>>
      tpu.enqueue_indirect_dma source(%arg11 : memref<128x128xf32, #tpu.memory_space<vmem>>) target(%dma_start3A_127 : memref<5120x128xf32, #tpu.memory_space<vmem_shared>>) offsets(%dma_start3A_124 : memref<128xi32, #tpu.memory_space<vmem>>) semaphore(%arg20 : memref<!tpu.dma_semaphore, #tpu.memory_space<semaphore_mem>>) {add = true}
      %add3A_128 = arith.constant 3 : i32
      %add3A_129 = arith.addi %add3A_53, %add3A_128 : i32
      %ge3A_130 = arith.constant 1 : i32
      %ge3A_131 = arith.cmpi sge, %add3A_129, %ge3A_130 : i32
      %convert_element_type3A_132 = arith.extui %ge3A_131 : i1 to i32
      %cond3A_133 = arith.constant 0 : i32
      %cond3A_134 = arith.cmpi ne, %convert_element_type3A_132, %cond3A_133 : i32
      scf.if %cond3A_134 {
        %sub3A_154 = arith.constant 1 : i32
        %sub3A_155 = arith.subi %add3A_129, %sub3A_154 : i32
        %dma_wait3A_156 = arith.constant 0 : i32
        %dma_wait3A_157 = tpu.memref_slice %arg8[%sub3A_155, %dma_wait3A_156] : memref<80x128xi32, #tpu.memory_space<vmem>> -> memref<1x128xi32, #tpu.memory_space<vmem>>
        %dma_wait3A_158 = tpu.memref_squeeze %dma_wait3A_157 : memref<1x128xi32, #tpu.memory_space<vmem>> -> memref<128xi32, #tpu.memory_space<vmem>>
        %dma_wait3A_159 = arith.constant 0 : i32
        %dma_wait3A_160 = arith.constant 0 : i32
        %dma_wait3A_161 = tpu.memref_slice %arg6[%dma_wait3A_159, %dma_wait3A_160] : memref<5120x128xf32, #tpu.memory_space<vmem_shared>> -> memref<5120x128xf32, #tpu.memory_space<vmem_shared>>
        tpu.wait_indirect_dma semaphore(%arg20 : memref<!tpu.dma_semaphore, #tpu.memory_space<semaphore_mem>>) src(%arg11 : memref<128x128xf32, #tpu.memory_space<vmem>>) dst(%dma_wait3A_161 : memref<5120x128xf32, #tpu.memory_space<vmem_shared>>)
      } else {
      }
      %add3A_135 = arith.constant 3 : i32
      %add3A_136 = arith.addi %add3A_129, %add3A_135 : i32
      %lt3A_137 = arith.constant 80 : i32
      %lt3A_138 = arith.cmpi slt, %add3A_136, %lt3A_137 : i32
      %convert_element_type3A_139 = arith.extui %lt3A_138 : i1 to i32
      %cond3A_140 = arith.constant 0 : i32
      %cond3A_141 = arith.cmpi ne, %convert_element_type3A_139, %cond3A_140 : i32
      scf.if %cond3A_141 {
        %add3A_154 = arith.constant 3 : i32
        %add3A_155 = arith.addi %add3A_129, %add3A_154 : i32
        %dma_start3A_156 = arith.constant 0 : i32
        %dma_start3A_157 = tpu.memref_slice %arg7[%add3A_155, %dma_start3A_156] : memref<80x128xi32, #tpu.memory_space<vmem>> -> memref<1x128xi32, #tpu.memory_space<vmem>>
        %dma_start3A_158 = tpu.memref_squeeze %dma_start3A_157 : memref<1x128xi32, #tpu.memory_space<vmem>> -> memref<128xi32, #tpu.memory_space<vmem>>
        %dma_start3A_159 = arith.constant 0 : i32
        %dma_start3A_160 = arith.constant 0 : i32
        %dma_start3A_161 = tpu.memref_slice %arg2[%dma_start3A_159, %dma_start3A_160] : memref<10240x128xf32, #tpu.memory_space<hbm>> -> memref<10240x128xf32, #tpu.memory_space<hbm>>
        tpu.enqueue_indirect_dma source(%dma_start3A_161 : memref<10240x128xf32, #tpu.memory_space<hbm>>) target(%arg11 : memref<128x128xf32, #tpu.memory_space<vmem>>) offsets(%dma_start3A_158 : memref<128xi32, #tpu.memory_space<vmem>>) semaphore(%arg16 : memref<!tpu.dma_semaphore, #tpu.memory_space<semaphore_mem>>)
      } else {
      }
      %dma_wait3A_142 = arith.constant 0 : i32
      %dma_wait3A_143 = tpu.memref_slice %arg7[%add3A_129, %dma_wait3A_142] : memref<80x128xi32, #tpu.memory_space<vmem>> -> memref<1x128xi32, #tpu.memory_space<vmem>>
      %dma_wait3A_144 = tpu.memref_squeeze %dma_wait3A_143 : memref<1x128xi32, #tpu.memory_space<vmem>> -> memref<128xi32, #tpu.memory_space<vmem>>
      %dma_wait3A_145 = arith.constant 0 : i32
      %dma_wait3A_146 = arith.constant 0 : i32
      %dma_wait3A_147 = tpu.memref_slice %arg2[%dma_wait3A_145, %dma_wait3A_146] : memref<10240x128xf32, #tpu.memory_space<hbm>> -> memref<10240x128xf32, #tpu.memory_space<hbm>>
      tpu.wait_indirect_dma semaphore(%arg17 : memref<!tpu.dma_semaphore, #tpu.memory_space<semaphore_mem>>) src(%dma_wait3A_147 : memref<10240x128xf32, #tpu.memory_space<hbm>>) dst(%arg12 : memref<128x128xf32, #tpu.memory_space<vmem>>)
      %dma_start3A_148 = arith.constant 0 : i32
      %dma_start3A_149 = tpu.memref_slice %arg8[%add3A_129, %dma_start3A_148] : memref<80x128xi32, #tpu.memory_space<vmem>> -> memref<1x128xi32, #tpu.memory_space<vmem>>
      %dma_start3A_150 = tpu.memref_squeeze %dma_start3A_149 : memref<1x128xi32, #tpu.memory_space<vmem>> -> memref<128xi32, #tpu.memory_space<vmem>>
      %dma_start3A_151 = arith.constant 0 : i32
      %dma_start3A_152 = arith.constant 0 : i32
      %dma_start3A_153 = tpu.memref_slice %arg6[%dma_start3A_151, %dma_start3A_152] : memref<5120x128xf32, #tpu.memory_space<vmem_shared>> -> memref<5120x128xf32, #tpu.memory_space<vmem_shared>>
      tpu.enqueue_indirect_dma source(%arg12 : memref<128x128xf32, #tpu.memory_space<vmem>>) target(%dma_start3A_153 : memref<5120x128xf32, #tpu.memory_space<vmem_shared>>) offsets(%dma_start3A_150 : memref<128xi32, #tpu.memory_space<vmem>>) semaphore(%arg21 : memref<!tpu.dma_semaphore, #tpu.memory_space<semaphore_mem>>) {add = true}
    }
    %scan3A_35 = arith.constant 20 : i32
    %dma_wait3A = arith.constant 79 : i32
    %dma_wait3A_36 = arith.constant 0 : i32
    %dma_wait3A_37 = tpu.memref_slice %arg8[%dma_wait3A, %dma_wait3A_36] : memref<80x128xi32, #tpu.memory_space<vmem>> -> memref<1x128xi32, #tpu.memory_space<vmem>>
    %dma_wait3A_38 = tpu.memref_squeeze %dma_wait3A_37 : memref<1x128xi32, #tpu.memory_space<vmem>> -> memref<128xi32, #tpu.memory_space<vmem>>
    %dma_wait3A_39 = arith.constant 0 : i32
    %dma_wait3A_40 = arith.constant 0 : i32
    %dma_wait3A_41 = tpu.memref_slice %arg6[%dma_wait3A_39, %dma_wait3A_40] : memref<5120x128xf32, #tpu.memory_space<vmem_shared>> -> memref<5120x128xf32, #tpu.memory_space<vmem_shared>>
    tpu.wait_indirect_dma semaphore(%arg21 : memref<!tpu.dma_semaphore, #tpu.memory_space<semaphore_mem>>) src(%arg12 : memref<128x128xf32, #tpu.memory_space<vmem>>) dst(%dma_wait3A_41 : memref<5120x128xf32, #tpu.memory_space<vmem_shared>>)
    %barrier3A_42 = arith.constant 0 : index
    tpu.barrier barrier_id(%barrier3A_42)
    %mul3A_43 = arith.constant 320 : i32
    %mul3A_44 = arith.muli %arg1, %mul3A_43 : i32
    %mul3A_45 = arith.constant 5120 : i32
    %mul3A_46 = arith.muli %sub3A_0, %mul3A_45 : i32
    %mul3A_47 = arith.constant 320 : i32
    %mul3A_48 = arith.muli %arg1, %mul3A_47 : i32
    %add3A = arith.addi %mul3A_46, %mul3A_48 : i32
    "tpu.region"() ({
      %run_scoped3A = tpu.sem_alloc : memref<!tpu.dma_semaphore, #tpu.memory_space<semaphore_mem>>
      %dma_start3A_49 = arith.constant 0 : i32
      %dma_start3A_50 = tpu.memref_slice %arg5[%add3A, %dma_start3A_49] : memref<10240x128xf32, #tpu.memory_space<hbm>> -> memref<320x128xf32, #tpu.memory_space<hbm>>
      %dma_start3A_51 = arith.constant 0 : i32
      %dma_start3A_52 = tpu.memref_slice %arg6[%mul3A_44, %dma_start3A_51] : memref<5120x128xf32, #tpu.memory_space<vmem_shared>> -> memref<320x128xf32, #tpu.memory_space<vmem_shared>>
      tpu.enqueue_dma source(%dma_start3A_52 : memref<320x128xf32, #tpu.memory_space<vmem_shared>>) target(%dma_start3A_50 : memref<320x128xf32, #tpu.memory_space<hbm>>) target_semaphore(%run_scoped3A : memref<!tpu.dma_semaphore, #tpu.memory_space<semaphore_mem>>)
      %dma_wait3A_53 = arith.constant 0 : i32
      %dma_wait3A_54 = tpu.memref_slice %arg5[%add3A, %dma_wait3A_53] : memref<10240x128xf32, #tpu.memory_space<hbm>> -> memref<320x128xf32, #tpu.memory_space<hbm>>
      %dma_wait3A_55 = arith.constant 0 : i32
      %dma_wait3A_56 = tpu.memref_slice %arg6[%mul3A_44, %dma_wait3A_55] : memref<5120x128xf32, #tpu.memory_space<vmem_shared>> -> memref<320x128xf32, #tpu.memory_space<vmem_shared>>
      tpu.wait_dma2 semaphore(%run_scoped3A : memref<!tpu.dma_semaphore, #tpu.memory_space<semaphore_mem>>) src(%dma_wait3A_56 : memref<320x128xf32, #tpu.memory_space<vmem_shared>>) dst(%dma_wait3A_54 : memref<320x128xf32, #tpu.memory_space<hbm>>)
      tpu.yield
    }) : () -> ()
    return
  }
}

#map = affine_map<(d0, d1) -> (0, 0, 0)>
#map1 = affine_map<(d0, d1) -> (0, 0)>
module attributes {stable_mosaic.version = 14 : i64} {
  func.func @hist(%arg0: i32, %arg1: i32, %arg2: memref<2x1280x128xi32, #tpu.memory_space<hbm>>, %arg3: memref<10240x16xf32, #tpu.memory_space<hbm>>, %arg4: memref<5120x16xf32, #tpu.memory_space<vmem_shared>>, %arg5: memref<80x128xi32, #tpu.memory_space<vmem>>, %arg6: memref<128x16xf32, #tpu.memory_space<vmem>>, %arg7: memref<320x16xf32, #tpu.memory_space<vmem>>) attributes {dimension_semantics = [#tpu.dimension_semantics<core_parallel>, #tpu.dimension_semantics<subcore_parallel>], iteration_bounds = array<i64: 2, 16>, scalar_prefetch = 0 : i64, scratch_operands = 4 : i64, tpu.core_type = #tpu.core_type<sc_vector_subcore>, window_params = [{transform_indices = #map}, {transform_indices = #map1}]} {
    %scan3A = arith.constant 0 : i32
    %scan3A_0 = arith.constant 128 : i32
    %scan3A_1 = arith.addi %scan3A, %scan3A_0 : i32
    %scan3A_2 = arith.constant 1 : i32
    scf.for %scan3A_24 = %scan3A to %scan3A_1 step %scan3A_2  : i32 {
      %mul3A_25 = arith.constant 1 : i32
      %mul3A_26 = arith.muli %scan3A_24, %mul3A_25 : i32
      %add3A_27 = arith.constant 0 : i32
      %add3A_28 = arith.addi %add3A_27, %mul3A_26 : i32
      %broadcast_in_dim3A = arith.constant 1.000000e+00 : f32
      %broadcast_in_dim3A_29 = vector.broadcast %broadcast_in_dim3A : f32 to vector<16xf32>
      %swap3A = arith.index_cast %add3A_28 : i32 to index
      %swap3A_30 = arith.constant 0 : index
      %swap3A_31 = tpu.vector_load %arg6[%swap3A, %swap3A_30] {strides = array<i32>} : memref<128x16xf32, #tpu.memory_space<vmem>>, vector<1x16xf32>,
      %swap3A_32 = vector.shape_cast %swap3A_31 : vector<1x16xf32> to vector<16xf32>
      %swap3A_33 = vector.shape_cast %broadcast_in_dim3A_29 : vector<16xf32> to vector<1x16xf32>
      tpu.vector_store %arg6[%swap3A, %swap3A_30], %swap3A_33 {strides = array<i32>} : memref<128x16xf32, #tpu.memory_space<vmem>>, vector<1x16xf32>,
    }
    %scan3A_3 = arith.constant 128 : i32
    %scan3A_4 = arith.constant 0 : i32
    %scan3A_5 = arith.constant 320 : i32
    %scan3A_6 = arith.addi %scan3A_4, %scan3A_5 : i32
    %scan3A_7 = arith.constant 1 : i32
    scf.for %scan3A_24 = %scan3A_4 to %scan3A_6 step %scan3A_7  : i32 {
      %mul3A_25 = arith.constant 1 : i32
      %mul3A_26 = arith.muli %scan3A_24, %mul3A_25 : i32
      %add3A_27 = arith.constant 0 : i32
      %add3A_28 = arith.addi %add3A_27, %mul3A_26 : i32
      %broadcast_in_dim3A = arith.constant 0.000000e+00 : f32
      %broadcast_in_dim3A_29 = vector.broadcast %broadcast_in_dim3A : f32 to vector<16xf32>
      %swap3A = arith.index_cast %add3A_28 : i32 to index
      %swap3A_30 = arith.constant 0 : index
      %swap3A_31 = tpu.vector_load %arg7[%swap3A, %swap3A_30] {strides = array<i32>} : memref<320x16xf32, #tpu.memory_space<vmem>>, vector<1x16xf32>,
      %swap3A_32 = vector.shape_cast %swap3A_31 : vector<1x16xf32> to vector<16xf32>
      %swap3A_33 = vector.shape_cast %broadcast_in_dim3A_29 : vector<16xf32> to vector<1x16xf32>
      tpu.vector_store %arg7[%swap3A, %swap3A_30], %swap3A_33 {strides = array<i32>} : memref<320x16xf32, #tpu.memory_space<vmem>>, vector<1x16xf32>,
    }
    %scan3A_8 = arith.constant 320 : i32
    %mul3A = arith.constant 320 : i32
    %mul3A_9 = arith.muli %arg1, %mul3A : i32
    "tpu.region"() ({
      %run_scoped3A = tpu.sem_alloc : memref<!tpu.dma_semaphore, #tpu.memory_space<semaphore_mem>>
      %dma_start3A = arith.constant 0 : i32
      %dma_start3A_24 = tpu.memref_slice %arg4[%mul3A_9, %dma_start3A] : memref<5120x16xf32, #tpu.memory_space<vmem_shared>> -> memref<320x16xf32, #tpu.memory_space<vmem_shared>>
      %dma_start3A_25 = arith.constant 0 : i32
      %dma_start3A_26 = tpu.memref_slice %arg4[%mul3A_9, %dma_start3A_25] : memref<5120x16xf32, #tpu.memory_space<vmem_shared>> -> memref<320x16xf32, #tpu.memory_space<vmem_shared>>
      tpu.enqueue_dma source(%arg7 : memref<320x16xf32, #tpu.memory_space<vmem>>) target(%dma_start3A_26 : memref<320x16xf32, #tpu.memory_space<vmem_shared>>) target_semaphore(%run_scoped3A : memref<!tpu.dma_semaphore, #tpu.memory_space<semaphore_mem>>)
      %dma_wait3A = arith.constant 0 : i32
      %dma_wait3A_27 = tpu.memref_slice %arg4[%mul3A_9, %dma_wait3A] : memref<5120x16xf32, #tpu.memory_space<vmem_shared>> -> memref<320x16xf32, #tpu.memory_space<vmem_shared>>
      %dma_wait3A_28 = arith.constant 0 : i32
      %dma_wait3A_29 = tpu.memref_slice %arg4[%mul3A_9, %dma_wait3A_28] : memref<5120x16xf32, #tpu.memory_space<vmem_shared>> -> memref<320x16xf32, #tpu.memory_space<vmem_shared>>
      tpu.wait_dma2 semaphore(%run_scoped3A : memref<!tpu.dma_semaphore, #tpu.memory_space<semaphore_mem>>) src(%arg7 : memref<320x16xf32, #tpu.memory_space<vmem>>) dst(%dma_wait3A_29 : memref<320x16xf32, #tpu.memory_space<vmem_shared>>)
      tpu.yield
    }) : () -> ()
    %barrier3A = arith.constant 0 : index
    tpu.barrier barrier_id(%barrier3A)
    %mul3A_10 = arith.constant 80 : i32
    %mul3A_11 = arith.muli %arg1, %mul3A_10 : i32
    "tpu.region"() ({
      %run_scoped3A = tpu.sem_alloc : memref<!tpu.dma_semaphore, #tpu.memory_space<semaphore_mem>>
      %dma_start3A = arith.constant 0 : i32
      %dma_start3A_24 = tpu.memref_slice %arg2[%arg0, %mul3A_11, %dma_start3A] : memref<2x1280x128xi32, #tpu.memory_space<hbm>> -> memref<1x80x128xi32, #tpu.memory_space<hbm>>
      %dma_start3A_25 = tpu.memref_squeeze %dma_start3A_24 : memref<1x80x128xi32, #tpu.memory_space<hbm>> -> memref<80x128xi32, #tpu.memory_space<hbm>>
      %dma_start3A_26 = arith.constant 0 : i32
      %dma_start3A_27 = tpu.memref_slice %arg2[%arg0, %mul3A_11, %dma_start3A_26] : memref<2x1280x128xi32, #tpu.memory_space<hbm>> -> memref<1x80x128xi32, #tpu.memory_space<hbm>>
      %dma_start3A_28 = tpu.memref_squeeze %dma_start3A_27 : memref<1x80x128xi32, #tpu.memory_space<hbm>> -> memref<80x128xi32, #tpu.memory_space<hbm>>
      tpu.enqueue_dma source(%dma_start3A_28 : memref<80x128xi32, #tpu.memory_space<hbm>>) target(%arg5 : memref<80x128xi32, #tpu.memory_space<vmem>>) target_semaphore(%run_scoped3A : memref<!tpu.dma_semaphore, #tpu.memory_space<semaphore_mem>>)
      %dma_wait3A = arith.constant 0 : i32
      %dma_wait3A_29 = tpu.memref_slice %arg2[%arg0, %mul3A_11, %dma_wait3A] : memref<2x1280x128xi32, #tpu.memory_space<hbm>> -> memref<1x80x128xi32, #tpu.memory_space<hbm>>
      %dma_wait3A_30 = tpu.memref_squeeze %dma_wait3A_29 : memref<1x80x128xi32, #tpu.memory_space<hbm>> -> memref<80x128xi32, #tpu.memory_space<hbm>>
      %dma_wait3A_31 = arith.constant 0 : i32
      %dma_wait3A_32 = tpu.memref_slice %arg2[%arg0, %mul3A_11, %dma_wait3A_31] : memref<2x1280x128xi32, #tpu.memory_space<hbm>> -> memref<1x80x128xi32, #tpu.memory_space<hbm>>
      %dma_wait3A_33 = tpu.memref_squeeze %dma_wait3A_32 : memref<1x80x128xi32, #tpu.memory_space<hbm>> -> memref<80x128xi32, #tpu.memory_space<hbm>>
      tpu.wait_dma2 semaphore(%run_scoped3A : memref<!tpu.dma_semaphore, #tpu.memory_space<semaphore_mem>>) src(%dma_wait3A_33 : memref<80x128xi32, #tpu.memory_space<hbm>>) dst(%arg5 : memref<80x128xi32, #tpu.memory_space<vmem>>)
      tpu.yield
    }) : () -> ()
    %scan3A_12 = arith.constant 0 : i32
    %scan3A_13 = arith.constant 80 : i32
    %scan3A_14 = arith.addi %scan3A_12, %scan3A_13 : i32
    %scan3A_15 = arith.constant 1 : i32
    scf.for %scan3A_24 = %scan3A_12 to %scan3A_14 step %scan3A_15  : i32 {
      %mul3A_25 = arith.constant 1 : i32
      %mul3A_26 = arith.muli %scan3A_24, %mul3A_25 : i32
      %add3A_27 = arith.constant 0 : i32
      %add3A_28 = arith.addi %add3A_27, %mul3A_26 : i32
      "tpu.region"() ({
        %run_scoped3A = tpu.sem_alloc : memref<!tpu.dma_semaphore, #tpu.memory_space<semaphore_mem>>
        %dma_start3A = arith.constant 0 : i32
        %dma_start3A_29 = tpu.memref_slice %arg5[%add3A_28, %dma_start3A] : memref<80x128xi32, #tpu.memory_space<vmem>> -> memref<1x128xi32, #tpu.memory_space<vmem>>
        %dma_start3A_30 = tpu.memref_squeeze %dma_start3A_29 : memref<1x128xi32, #tpu.memory_space<vmem>> -> memref<128xi32, #tpu.memory_space<vmem>>
        %dma_start3A_31 = arith.constant 0 : i32
        %dma_start3A_32 = arith.constant 0 : i32
        %dma_start3A_33 = tpu.memref_slice %arg4[%dma_start3A_31, %dma_start3A_32] : memref<5120x16xf32, #tpu.memory_space<vmem_shared>> -> memref<5120x16xf32, #tpu.memory_space<vmem_shared>>
        tpu.enqueue_indirect_dma source(%arg6 : memref<128x16xf32, #tpu.memory_space<vmem>>) target(%dma_start3A_33 : memref<5120x16xf32, #tpu.memory_space<vmem_shared>>) offsets(%dma_start3A_30 : memref<128xi32, #tpu.memory_space<vmem>>) semaphore(%run_scoped3A : memref<!tpu.dma_semaphore, #tpu.memory_space<semaphore_mem>>) {add = true}
        %dma_wait3A = arith.constant 0 : i32
        %dma_wait3A_34 = tpu.memref_slice %arg5[%add3A_28, %dma_wait3A] : memref<80x128xi32, #tpu.memory_space<vmem>> -> memref<1x128xi32, #tpu.memory_space<vmem>>
        %dma_wait3A_35 = tpu.memref_squeeze %dma_wait3A_34 : memref<1x128xi32, #tpu.memory_space<vmem>> -> memref<128xi32, #tpu.memory_space<vmem>>
        %dma_wait3A_36 = arith.constant 0 : i32
        %dma_wait3A_37 = arith.constant 0 : i32
        %dma_wait3A_38 = tpu.memref_slice %arg4[%dma_wait3A_36, %dma_wait3A_37] : memref<5120x16xf32, #tpu.memory_space<vmem_shared>> -> memref<5120x16xf32, #tpu.memory_space<vmem_shared>>
        tpu.wait_indirect_dma semaphore(%run_scoped3A : memref<!tpu.dma_semaphore, #tpu.memory_space<semaphore_mem>>) src(%arg6 : memref<128x16xf32, #tpu.memory_space<vmem>>) dst(%dma_wait3A_38 : memref<5120x16xf32, #tpu.memory_space<vmem_shared>>)
        tpu.yield
      }) : () -> ()
    }
    %scan3A_16 = arith.constant 80 : i32
    %barrier3A_17 = arith.constant 0 : index
    tpu.barrier barrier_id(%barrier3A_17)
    %mul3A_18 = arith.constant 320 : i32
    %mul3A_19 = arith.muli %arg1, %mul3A_18 : i32
    %mul3A_20 = arith.constant 5120 : i32
    %mul3A_21 = arith.muli %arg0, %mul3A_20 : i32
    %mul3A_22 = arith.constant 320 : i32
    %mul3A_23 = arith.muli %arg1, %mul3A_22 : i32
    %add3A = arith.addi %mul3A_21, %mul3A_23 : i32
    "tpu.region"() ({
      %run_scoped3A = tpu.sem_alloc : memref<!tpu.dma_semaphore, #tpu.memory_space<semaphore_mem>>
      %dma_start3A = arith.constant 0 : i32
      %dma_start3A_24 = tpu.memref_slice %arg3[%add3A, %dma_start3A] : memref<10240x16xf32, #tpu.memory_space<hbm>> -> memref<320x16xf32, #tpu.memory_space<hbm>>
      %dma_start3A_25 = arith.constant 0 : i32
      %dma_start3A_26 = tpu.memref_slice %arg4[%mul3A_19, %dma_start3A_25] : memref<5120x16xf32, #tpu.memory_space<vmem_shared>> -> memref<320x16xf32, #tpu.memory_space<vmem_shared>>
      tpu.enqueue_dma source(%dma_start3A_26 : memref<320x16xf32, #tpu.memory_space<vmem_shared>>) target(%dma_start3A_24 : memref<320x16xf32, #tpu.memory_space<hbm>>) target_semaphore(%run_scoped3A : memref<!tpu.dma_semaphore, #tpu.memory_space<semaphore_mem>>)
      %dma_wait3A = arith.constant 0 : i32
      %dma_wait3A_27 = tpu.memref_slice %arg3[%add3A, %dma_wait3A] : memref<10240x16xf32, #tpu.memory_space<hbm>> -> memref<320x16xf32, #tpu.memory_space<hbm>>
      %dma_wait3A_28 = arith.constant 0 : i32
      %dma_wait3A_29 = tpu.memref_slice %arg4[%mul3A_19, %dma_wait3A_28] : memref<5120x16xf32, #tpu.memory_space<vmem_shared>> -> memref<320x16xf32, #tpu.memory_space<vmem_shared>>
      tpu.wait_dma2 semaphore(%run_scoped3A : memref<!tpu.dma_semaphore, #tpu.memory_space<semaphore_mem>>) src(%dma_wait3A_29 : memref<320x16xf32, #tpu.memory_space<vmem_shared>>) dst(%dma_wait3A_27 : memref<320x16xf32, #tpu.memory_space<hbm>>)
      tpu.yield
    }) : () -> ()
    return
  }
}

#map = affine_map<(d0, d1) -> (0, 0)>
#map1 = affine_map<(d0, d1) -> (0, 0, 0)>
module attributes {stable_mosaic.version = 14 : i64} {
  func.func @prop(%arg0: i32, %arg1: i32, %arg2: memref<10240x128xf32, #tpu.memory_space<hbm>>, %arg3: memref<2x1280x128xi32, #tpu.memory_space<hbm>>, %arg4: memref<2x1280x128xi32, #tpu.memory_space<hbm>>, %arg5: memref<10240x128xf32, #tpu.memory_space<hbm>>, %arg6: memref<5120x128xf32, #tpu.memory_space<vmem_shared>>, %arg7: memref<80x128xi32, #tpu.memory_space<vmem>>, %arg8: memref<80x128xi32, #tpu.memory_space<vmem>>, %arg9: memref<128x128xf32, #tpu.memory_space<vmem>>, %arg10: memref<128x128xf32, #tpu.memory_space<vmem>>, %arg11: memref<128x128xf32, #tpu.memory_space<vmem>>, %arg12: memref<128x128xf32, #tpu.memory_space<vmem>>, %arg13: memref<16x128xf32, #tpu.memory_space<vmem>>, %arg14: memref<!tpu.dma_semaphore, #tpu.memory_space<semaphore_mem>>, %arg15: memref<!tpu.dma_semaphore, #tpu.memory_space<semaphore_mem>>, %arg16: memref<!tpu.dma_semaphore, #tpu.memory_space<semaphore_mem>>, %arg17: memref<!tpu.dma_semaphore, #tpu.memory_space<semaphore_mem>>, %arg18: memref<!tpu.dma_semaphore, #tpu.memory_space<semaphore_mem>>, %arg19: memref<!tpu.dma_semaphore, #tpu.memory_space<semaphore_mem>>, %arg20: memref<!tpu.dma_semaphore, #tpu.memory_space<semaphore_mem>>, %arg21: memref<!tpu.dma_semaphore, #tpu.memory_space<semaphore_mem>>) attributes {dimension_semantics = [#tpu.dimension_semantics<core_parallel>, #tpu.dimension_semantics<subcore_parallel>], iteration_bounds = array<i64: 2, 16>, scalar_prefetch = 0 : i64, scratch_operands = 16 : i64, tpu.core_type = #tpu.core_type<sc_vector_subcore>, window_params = [{transform_indices = #map}, {transform_indices = #map1}, {transform_indices = #map1}, {transform_indices = #map}]} {
    %sub3A = arith.constant 1 : i32
    %sub3A_0 = arith.subi %sub3A, %arg0 : i32
    %scan3A = arith.constant 0 : i32
    %scan3A_1 = arith.constant 16 : i32
    %scan3A_2 = arith.addi %scan3A, %scan3A_1 : i32
    %scan3A_3 = arith.constant 1 : i32
    scf.for %scan3A_49 = %scan3A to %scan3A_2 step %scan3A_3  : i32 {
      %mul3A_50 = arith.constant 1 : i32
      %mul3A_51 = arith.muli %scan3A_49, %mul3A_50 : i32
      %add3A_52 = arith.constant 0 : i32
      %add3A_53 = arith.addi %add3A_52, %mul3A_51 : i32
      %scan3A_54 = arith.constant 0 : i32
      %scan3A_55 = arith.constant 8 : i32
      %scan3A_56 = arith.addi %scan3A_54, %scan3A_55 : i32
      %scan3A_57 = arith.constant 1 : i32
      scf.for %scan3A_59 = %scan3A_54 to %scan3A_56 step %scan3A_57  : i32 {
        %mul3A_60 = arith.constant 16 : i32
        %mul3A_61 = arith.muli %scan3A_59, %mul3A_60 : i32
        %add3A_62 = arith.constant 0 : i32
        %add3A_63 = arith.addi %add3A_62, %mul3A_61 : i32
        %broadcast_in_dim3A = arith.constant 0.000000e+00 : f32
        %broadcast_in_dim3A_64 = vector.broadcast %broadcast_in_dim3A : f32 to vector<16xf32>
        %swap3A = arith.index_cast %add3A_53 : i32 to index
        %swap3A_65 = arith.index_cast %add3A_63 : i32 to index
        %swap3A_66 = tpu.vector_load %arg13[%swap3A, %swap3A_65] {strides = array<i32>} : memref<16x128xf32, #tpu.memory_space<vmem>>, vector<1x16xf32>,
        %swap3A_67 = vector.shape_cast %swap3A_66 : vector<1x16xf32> to vector<16xf32>
        %swap3A_68 = vector.shape_cast %broadcast_in_dim3A_64 : vector<16xf32> to vector<1x16xf32>
        tpu.vector_store %arg13[%swap3A, %swap3A_65], %swap3A_68 {strides = array<i32>} : memref<16x128xf32, #tpu.memory_space<vmem>>, vector<1x16xf32>,
      }
      %scan3A_58 = arith.constant 8 : i32
    }
    %scan3A_4 = arith.constant 16 : i32
    %scan3A_5 = arith.constant 0 : i32
    %scan3A_6 = arith.constant 20 : i32
    %scan3A_7 = arith.addi %scan3A_5, %scan3A_6 : i32
    %scan3A_8 = arith.constant 1 : i32
    scf.for %scan3A_49 = %scan3A_5 to %scan3A_7 step %scan3A_8  : i32 {
      %mul3A_50 = arith.constant 16 : i32
      %mul3A_51 = arith.muli %scan3A_49, %mul3A_50 : i32
      %add3A_52 = arith.constant 0 : i32
      %add3A_53 = arith.addi %add3A_52, %mul3A_51 : i32
      %mul3A_54 = arith.constant 320 : i32
      %mul3A_55 = arith.muli %arg1, %mul3A_54 : i32
      %add3A_56 = arith.addi %mul3A_55, %add3A_53 : i32
      "tpu.region"() ({
        %run_scoped3A = tpu.sem_alloc : memref<!tpu.dma_semaphore, #tpu.memory_space<semaphore_mem>>
        %dma_start3A_57 = arith.constant 0 : i32
        %dma_start3A_58 = tpu.memref_slice %arg6[%add3A_56, %dma_start3A_57] : memref<5120x128xf32, #tpu.memory_space<vmem_shared>> -> memref<16x128xf32, #tpu.memory_space<vmem_shared>>
        %dma_start3A_59 = arith.constant 0 : i32
        %dma_start3A_60 = tpu.memref_slice %arg6[%add3A_56, %dma_start3A_59] : memref<5120x128xf32, #tpu.memory_space<vmem_shared>> -> memref<16x128xf32, #tpu.memory_space<vmem_shared>>
        tpu.enqueue_dma source(%arg13 : memref<16x128xf32, #tpu.memory_space<vmem>>) target(%dma_start3A_60 : memref<16x128xf32, #tpu.memory_space<vmem_shared>>) target_semaphore(%run_scoped3A : memref<!tpu.dma_semaphore, #tpu.memory_space<semaphore_mem>>)
        %dma_wait3A_61 = arith.constant 0 : i32
        %dma_wait3A_62 = tpu.memref_slice %arg6[%add3A_56, %dma_wait3A_61] : memref<5120x128xf32, #tpu.memory_space<vmem_shared>> -> memref<16x128xf32, #tpu.memory_space<vmem_shared>>
        %dma_wait3A_63 = arith.constant 0 : i32
        %dma_wait3A_64 = tpu.memref_slice %arg6[%add3A_56, %dma_wait3A_63] : memref<5120x128xf32, #tpu.memory_space<vmem_shared>> -> memref<16x128xf32, #tpu.memory_space<vmem_shared>>
        tpu.wait_dma2 semaphore(%run_scoped3A : memref<!tpu.dma_semaphore, #tpu.memory_space<semaphore_mem>>) src(%arg13 : memref<16x128xf32, #tpu.memory_space<vmem>>) dst(%dma_wait3A_64 : memref<16x128xf32, #tpu.memory_space<vmem_shared>>)
        tpu.yield
      }) : () -> ()
    }
    %scan3A_9 = arith.constant 20 : i32
    %barrier3A = arith.constant 0 : index
    tpu.barrier barrier_id(%barrier3A)
    %mul3A = arith.constant 80 : i32
    %mul3A_10 = arith.muli %arg1, %mul3A : i32
    "tpu.region"() ({
      %run_scoped3A = tpu.sem_alloc : memref<!tpu.dma_semaphore, #tpu.memory_space<semaphore_mem>>
      %dma_start3A_49 = arith.constant 0 : i32
      %dma_start3A_50 = tpu.memref_slice %arg3[%arg0, %mul3A_10, %dma_start3A_49] : memref<2x1280x128xi32, #tpu.memory_space<hbm>> -> memref<1x80x128xi32, #tpu.memory_space<hbm>>
      %dma_start3A_51 = tpu.memref_squeeze %dma_start3A_50 : memref<1x80x128xi32, #tpu.memory_space<hbm>> -> memref<80x128xi32, #tpu.memory_space<hbm>>
      %dma_start3A_52 = arith.constant 0 : i32
      %dma_start3A_53 = tpu.memref_slice %arg3[%arg0, %mul3A_10, %dma_start3A_52] : memref<2x1280x128xi32, #tpu.memory_space<hbm>> -> memref<1x80x128xi32, #tpu.memory_space<hbm>>
      %dma_start3A_54 = tpu.memref_squeeze %dma_start3A_53 : memref<1x80x128xi32, #tpu.memory_space<hbm>> -> memref<80x128xi32, #tpu.memory_space<hbm>>
      tpu.enqueue_dma source(%dma_start3A_54 : memref<80x128xi32, #tpu.memory_space<hbm>>) target(%arg7 : memref<80x128xi32, #tpu.memory_space<vmem>>) target_semaphore(%run_scoped3A : memref<!tpu.dma_semaphore, #tpu.memory_space<semaphore_mem>>)
      %dma_wait3A_55 = arith.constant 0 : i32
      %dma_wait3A_56 = tpu.memref_slice %arg3[%arg0, %mul3A_10, %dma_wait3A_55] : memref<2x1280x128xi32, #tpu.memory_space<hbm>> -> memref<1x80x128xi32, #tpu.memory_space<hbm>>
      %dma_wait3A_57 = tpu.memref_squeeze %dma_wait3A_56 : memref<1x80x128xi32, #tpu.memory_space<hbm>> -> memref<80x128xi32, #tpu.memory_space<hbm>>
      %dma_wait3A_58 = arith.constant 0 : i32
      %dma_wait3A_59 = tpu.memref_slice %arg3[%arg0, %mul3A_10, %dma_wait3A_58] : memref<2x1280x128xi32, #tpu.memory_space<hbm>> -> memref<1x80x128xi32, #tpu.memory_space<hbm>>
      %dma_wait3A_60 = tpu.memref_squeeze %dma_wait3A_59 : memref<1x80x128xi32, #tpu.memory_space<hbm>> -> memref<80x128xi32, #tpu.memory_space<hbm>>
      tpu.wait_dma2 semaphore(%run_scoped3A : memref<!tpu.dma_semaphore, #tpu.memory_space<semaphore_mem>>) src(%dma_wait3A_60 : memref<80x128xi32, #tpu.memory_space<hbm>>) dst(%arg7 : memref<80x128xi32, #tpu.memory_space<vmem>>)
      tpu.yield
    }) : () -> ()
    "tpu.region"() ({
      %run_scoped3A = tpu.sem_alloc : memref<!tpu.dma_semaphore, #tpu.memory_space<semaphore_mem>>
      %dma_start3A_49 = arith.constant 0 : i32
      %dma_start3A_50 = tpu.memref_slice %arg4[%sub3A_0, %mul3A_10, %dma_start3A_49] : memref<2x1280x128xi32, #tpu.memory_space<hbm>> -> memref<1x80x128xi32, #tpu.memory_space<hbm>>
      %dma_start3A_51 = tpu.memref_squeeze %dma_start3A_50 : memref<1x80x128xi32, #tpu.memory_space<hbm>> -> memref<80x128xi32, #tpu.memory_space<hbm>>
      %dma_start3A_52 = arith.constant 0 : i32
      %dma_start3A_53 = tpu.memref_slice %arg4[%sub3A_0, %mul3A_10, %dma_start3A_52] : memref<2x1280x128xi32, #tpu.memory_space<hbm>> -> memref<1x80x128xi32, #tpu.memory_space<hbm>>
      %dma_start3A_54 = tpu.memref_squeeze %dma_start3A_53 : memref<1x80x128xi32, #tpu.memory_space<hbm>> -> memref<80x128xi32, #tpu.memory_space<hbm>>
      tpu.enqueue_dma source(%dma_start3A_54 : memref<80x128xi32, #tpu.memory_space<hbm>>) target(%arg8 : memref<80x128xi32, #tpu.memory_space<vmem>>) target_semaphore(%run_scoped3A : memref<!tpu.dma_semaphore, #tpu.memory_space<semaphore_mem>>)
      %dma_wait3A_55 = arith.constant 0 : i32
      %dma_wait3A_56 = tpu.memref_slice %arg4[%sub3A_0, %mul3A_10, %dma_wait3A_55] : memref<2x1280x128xi32, #tpu.memory_space<hbm>> -> memref<1x80x128xi32, #tpu.memory_space<hbm>>
      %dma_wait3A_57 = tpu.memref_squeeze %dma_wait3A_56 : memref<1x80x128xi32, #tpu.memory_space<hbm>> -> memref<80x128xi32, #tpu.memory_space<hbm>>
      %dma_wait3A_58 = arith.constant 0 : i32
      %dma_wait3A_59 = tpu.memref_slice %arg4[%sub3A_0, %mul3A_10, %dma_wait3A_58] : memref<2x1280x128xi32, #tpu.memory_space<hbm>> -> memref<1x80x128xi32, #tpu.memory_space<hbm>>
      %dma_wait3A_60 = tpu.memref_squeeze %dma_wait3A_59 : memref<1x80x128xi32, #tpu.memory_space<hbm>> -> memref<80x128xi32, #tpu.memory_space<hbm>>
      tpu.wait_dma2 semaphore(%run_scoped3A : memref<!tpu.dma_semaphore, #tpu.memory_space<semaphore_mem>>) src(%dma_wait3A_60 : memref<80x128xi32, #tpu.memory_space<hbm>>) dst(%arg8 : memref<80x128xi32, #tpu.memory_space<vmem>>)
      tpu.yield
    }) : () -> ()
    %dma_start3A = arith.constant 0 : i32
    %dma_start3A_11 = arith.constant 0 : i32
    %dma_start3A_12 = tpu.memref_slice %arg7[%dma_start3A, %dma_start3A_11] : memref<80x128xi32, #tpu.memory_space<vmem>> -> memref<1x128xi32, #tpu.memory_space<vmem>>
    %dma_start3A_13 = tpu.memref_squeeze %dma_start3A_12 : memref<1x128xi32, #tpu.memory_space<vmem>> -> memref<128xi32, #tpu.memory_space<vmem>>
    %dma_start3A_14 = arith.constant 0 : i32
    %dma_start3A_15 = arith.constant 0 : i32
    %dma_start3A_16 = tpu.memref_slice %arg2[%dma_start3A_14, %dma_start3A_15] : memref<10240x128xf32, #tpu.memory_space<hbm>> -> memref<10240x128xf32, #tpu.memory_space<hbm>>
    tpu.enqueue_indirect_dma source(%dma_start3A_16 : memref<10240x128xf32, #tpu.memory_space<hbm>>) target(%arg9 : memref<128x128xf32, #tpu.memory_space<vmem>>) offsets(%dma_start3A_13 : memref<128xi32, #tpu.memory_space<vmem>>) semaphore(%arg14 : memref<!tpu.dma_semaphore, #tpu.memory_space<semaphore_mem>>)
    %dma_start3A_17 = arith.constant 1 : i32
    %dma_start3A_18 = arith.constant 0 : i32
    %dma_start3A_19 = tpu.memref_slice %arg7[%dma_start3A_17, %dma_start3A_18] : memref<80x128xi32, #tpu.memory_space<vmem>> -> memref<1x128xi32, #tpu.memory_space<vmem>>
    %dma_start3A_20 = tpu.memref_squeeze %dma_start3A_19 : memref<1x128xi32, #tpu.memory_space<vmem>> -> memref<128xi32, #tpu.memory_space<vmem>>
    %dma_start3A_21 = arith.constant 0 : i32
    %dma_start3A_22 = arith.constant 0 : i32
    %dma_start3A_23 = tpu.memref_slice %arg2[%dma_start3A_21, %dma_start3A_22] : memref<10240x128xf32, #tpu.memory_space<hbm>> -> memref<10240x128xf32, #tpu.memory_space<hbm>>
    tpu.enqueue_indirect_dma source(%dma_start3A_23 : memref<10240x128xf32, #tpu.memory_space<hbm>>) target(%arg10 : memref<128x128xf32, #tpu.memory_space<vmem>>) offsets(%dma_start3A_20 : memref<128xi32, #tpu.memory_space<vmem>>) semaphore(%arg15 : memref<!tpu.dma_semaphore, #tpu.memory_space<semaphore_mem>>)
    %dma_start3A_24 = arith.constant 2 : i32
    %dma_start3A_25 = arith.constant 0 : i32
    %dma_start3A_26 = tpu.memref_slice %arg7[%dma_start3A_24, %dma_start3A_25] : memref<80x128xi32, #tpu.memory_space<vmem>> -> memref<1x128xi32, #tpu.memory_space<vmem>>
    %dma_start3A_27 = tpu.memref_squeeze %dma_start3A_26 : memref<1x128xi32, #tpu.memory_space<vmem>> -> memref<128xi32, #tpu.memory_space<vmem>>
    %dma_start3A_28 = arith.constant 0 : i32
    %dma_start3A_29 = arith.constant 0 : i32
    %dma_start3A_30 = tpu.memref_slice %arg2[%dma_start3A_28, %dma_start3A_29] : memref<10240x128xf32, #tpu.memory_space<hbm>> -> memref<10240x128xf32, #tpu.memory_space<hbm>>
    tpu.enqueue_indirect_dma source(%dma_start3A_30 : memref<10240x128xf32, #tpu.memory_space<hbm>>) target(%arg11 : memref<128x128xf32, #tpu.memory_space<vmem>>) offsets(%dma_start3A_27 : memref<128xi32, #tpu.memory_space<vmem>>) semaphore(%arg16 : memref<!tpu.dma_semaphore, #tpu.memory_space<semaphore_mem>>)
    %scan3A_31 = arith.constant 0 : i32
    %scan3A_32 = arith.constant 20 : i32
    %scan3A_33 = arith.addi %scan3A_31, %scan3A_32 : i32
    %scan3A_34 = arith.constant 1 : i32
    scf.for %scan3A_49 = %scan3A_31 to %scan3A_33 step %scan3A_34  : i32 {
      %mul3A_50 = arith.constant 4 : i32
      %mul3A_51 = arith.muli %scan3A_49, %mul3A_50 : i32
      %add3A_52 = arith.constant 0 : i32
      %add3A_53 = arith.addi %add3A_52, %mul3A_51 : i32
      %add3A_54 = arith.constant 0 : i32
      %add3A_55 = arith.addi %add3A_53, %add3A_54 : i32
      %ge3A = arith.constant 1 : i32
      %ge3A_56 = arith.cmpi sge, %add3A_55, %ge3A : i32
      %convert_element_type3A = arith.extui %ge3A_56 : i1 to i32
      %cond3A = arith.constant 0 : i32
      %cond3A_57 = arith.cmpi ne, %convert_element_type3A, %cond3A : i32
      scf.if %cond3A_57 {
        %sub3A_154 = arith.constant 1 : i32
        %sub3A_155 = arith.subi %add3A_55, %sub3A_154 : i32
        %dma_wait3A_156 = arith.constant 0 : i32
        %dma_wait3A_157 = tpu.memref_slice %arg8[%sub3A_155, %dma_wait3A_156] : memref<80x128xi32, #tpu.memory_space<vmem>> -> memref<1x128xi32, #tpu.memory_space<vmem>>
        %dma_wait3A_158 = tpu.memref_squeeze %dma_wait3A_157 : memref<1x128xi32, #tpu.memory_space<vmem>> -> memref<128xi32, #tpu.memory_space<vmem>>
        %dma_wait3A_159 = arith.constant 0 : i32
        %dma_wait3A_160 = arith.constant 0 : i32
        %dma_wait3A_161 = tpu.memref_slice %arg6[%dma_wait3A_159, %dma_wait3A_160] : memref<5120x128xf32, #tpu.memory_space<vmem_shared>> -> memref<5120x128xf32, #tpu.memory_space<vmem_shared>>
        tpu.wait_indirect_dma semaphore(%arg21 : memref<!tpu.dma_semaphore, #tpu.memory_space<semaphore_mem>>) src(%arg12 : memref<128x128xf32, #tpu.memory_space<vmem>>) dst(%dma_wait3A_161 : memref<5120x128xf32, #tpu.memory_space<vmem_shared>>)
      } else {
      }
      %add3A_58 = arith.constant 3 : i32
      %add3A_59 = arith.addi %add3A_55, %add3A_58 : i32
      %lt3A = arith.constant 80 : i32
      %lt3A_60 = arith.cmpi slt, %add3A_59, %lt3A : i32
      %convert_element_type3A_61 = arith.extui %lt3A_60 : i1 to i32
      %cond3A_62 = arith.constant 0 : i32
      %cond3A_63 = arith.cmpi ne, %convert_element_type3A_61, %cond3A_62 : i32
      scf.if %cond3A_63 {
        %add3A_154 = arith.constant 3 : i32
        %add3A_155 = arith.addi %add3A_55, %add3A_154 : i32
        %dma_start3A_156 = arith.constant 0 : i32
        %dma_start3A_157 = tpu.memref_slice %arg7[%add3A_155, %dma_start3A_156] : memref<80x128xi32, #tpu.memory_space<vmem>> -> memref<1x128xi32, #tpu.memory_space<vmem>>
        %dma_start3A_158 = tpu.memref_squeeze %dma_start3A_157 : memref<1x128xi32, #tpu.memory_space<vmem>> -> memref<128xi32, #tpu.memory_space<vmem>>
        %dma_start3A_159 = arith.constant 0 : i32
        %dma_start3A_160 = arith.constant 0 : i32
        %dma_start3A_161 = tpu.memref_slice %arg2[%dma_start3A_159, %dma_start3A_160] : memref<10240x128xf32, #tpu.memory_space<hbm>> -> memref<10240x128xf32, #tpu.memory_space<hbm>>
        tpu.enqueue_indirect_dma source(%dma_start3A_161 : memref<10240x128xf32, #tpu.memory_space<hbm>>) target(%arg12 : memref<128x128xf32, #tpu.memory_space<vmem>>) offsets(%dma_start3A_158 : memref<128xi32, #tpu.memory_space<vmem>>) semaphore(%arg17 : memref<!tpu.dma_semaphore, #tpu.memory_space<semaphore_mem>>)
      } else {
      }
      %dma_wait3A_64 = arith.constant 0 : i32
      %dma_wait3A_65 = tpu.memref_slice %arg7[%add3A_55, %dma_wait3A_64] : memref<80x128xi32, #tpu.memory_space<vmem>> -> memref<1x128xi32, #tpu.memory_space<vmem>>
      %dma_wait3A_66 = tpu.memref_squeeze %dma_wait3A_65 : memref<1x128xi32, #tpu.memory_space<vmem>> -> memref<128xi32, #tpu.memory_space<vmem>>
      %dma_wait3A_67 = arith.constant 0 : i32
      %dma_wait3A_68 = arith.constant 0 : i32
      %dma_wait3A_69 = tpu.memref_slice %arg2[%dma_wait3A_67, %dma_wait3A_68] : memref<10240x128xf32, #tpu.memory_space<hbm>> -> memref<10240x128xf32, #tpu.memory_space<hbm>>
      tpu.wait_indirect_dma semaphore(%arg14 : memref<!tpu.dma_semaphore, #tpu.memory_space<semaphore_mem>>) src(%dma_wait3A_69 : memref<10240x128xf32, #tpu.memory_space<hbm>>) dst(%arg9 : memref<128x128xf32, #tpu.memory_space<vmem>>)
      %dma_start3A_70 = arith.constant 0 : i32
      %dma_start3A_71 = tpu.memref_slice %arg8[%add3A_55, %dma_start3A_70] : memref<80x128xi32, #tpu.memory_space<vmem>> -> memref<1x128xi32, #tpu.memory_space<vmem>>
      %dma_start3A_72 = tpu.memref_squeeze %dma_start3A_71 : memref<1x128xi32, #tpu.memory_space<vmem>> -> memref<128xi32, #tpu.memory_space<vmem>>
      %dma_start3A_73 = arith.constant 0 : i32
      %dma_start3A_74 = arith.constant 0 : i32
      %dma_start3A_75 = tpu.memref_slice %arg6[%dma_start3A_73, %dma_start3A_74] : memref<5120x128xf32, #tpu.memory_space<vmem_shared>> -> memref<5120x128xf32, #tpu.memory_space<vmem_shared>>
      tpu.enqueue_indirect_dma source(%arg9 : memref<128x128xf32, #tpu.memory_space<vmem>>) target(%dma_start3A_75 : memref<5120x128xf32, #tpu.memory_space<vmem_shared>>) offsets(%dma_start3A_72 : memref<128xi32, #tpu.memory_space<vmem>>) semaphore(%arg18 : memref<!tpu.dma_semaphore, #tpu.memory_space<semaphore_mem>>) {add = true}
      %add3A_76 = arith.constant 1 : i32
      %add3A_77 = arith.addi %add3A_53, %add3A_76 : i32
      %ge3A_78 = arith.constant 1 : i32
      %ge3A_79 = arith.cmpi sge, %add3A_77, %ge3A_78 : i32
      %convert_element_type3A_80 = arith.extui %ge3A_79 : i1 to i32
      %cond3A_81 = arith.constant 0 : i32
      %cond3A_82 = arith.cmpi ne, %convert_element_type3A_80, %cond3A_81 : i32
      scf.if %cond3A_82 {
        %sub3A_154 = arith.constant 1 : i32
        %sub3A_155 = arith.subi %add3A_77, %sub3A_154 : i32
        %dma_wait3A_156 = arith.constant 0 : i32
        %dma_wait3A_157 = tpu.memref_slice %arg8[%sub3A_155, %dma_wait3A_156] : memref<80x128xi32, #tpu.memory_space<vmem>> -> memref<1x128xi32, #tpu.memory_space<vmem>>
        %dma_wait3A_158 = tpu.memref_squeeze %dma_wait3A_157 : memref<1x128xi32, #tpu.memory_space<vmem>> -> memref<128xi32, #tpu.memory_space<vmem>>
        %dma_wait3A_159 = arith.constant 0 : i32
        %dma_wait3A_160 = arith.constant 0 : i32
        %dma_wait3A_161 = tpu.memref_slice %arg6[%dma_wait3A_159, %dma_wait3A_160] : memref<5120x128xf32, #tpu.memory_space<vmem_shared>> -> memref<5120x128xf32, #tpu.memory_space<vmem_shared>>
        tpu.wait_indirect_dma semaphore(%arg18 : memref<!tpu.dma_semaphore, #tpu.memory_space<semaphore_mem>>) src(%arg9 : memref<128x128xf32, #tpu.memory_space<vmem>>) dst(%dma_wait3A_161 : memref<5120x128xf32, #tpu.memory_space<vmem_shared>>)
      } else {
      }
      %add3A_83 = arith.constant 3 : i32
      %add3A_84 = arith.addi %add3A_77, %add3A_83 : i32
      %lt3A_85 = arith.constant 80 : i32
      %lt3A_86 = arith.cmpi slt, %add3A_84, %lt3A_85 : i32
      %convert_element_type3A_87 = arith.extui %lt3A_86 : i1 to i32
      %cond3A_88 = arith.constant 0 : i32
      %cond3A_89 = arith.cmpi ne, %convert_element_type3A_87, %cond3A_88 : i32
      scf.if %cond3A_89 {
        %add3A_154 = arith.constant 3 : i32
        %add3A_155 = arith.addi %add3A_77, %add3A_154 : i32
        %dma_start3A_156 = arith.constant 0 : i32
        %dma_start3A_157 = tpu.memref_slice %arg7[%add3A_155, %dma_start3A_156] : memref<80x128xi32, #tpu.memory_space<vmem>> -> memref<1x128xi32, #tpu.memory_space<vmem>>
        %dma_start3A_158 = tpu.memref_squeeze %dma_start3A_157 : memref<1x128xi32, #tpu.memory_space<vmem>> -> memref<128xi32, #tpu.memory_space<vmem>>
        %dma_start3A_159 = arith.constant 0 : i32
        %dma_start3A_160 = arith.constant 0 : i32
        %dma_start3A_161 = tpu.memref_slice %arg2[%dma_start3A_159, %dma_start3A_160] : memref<10240x128xf32, #tpu.memory_space<hbm>> -> memref<10240x128xf32, #tpu.memory_space<hbm>>
        tpu.enqueue_indirect_dma source(%dma_start3A_161 : memref<10240x128xf32, #tpu.memory_space<hbm>>) target(%arg9 : memref<128x128xf32, #tpu.memory_space<vmem>>) offsets(%dma_start3A_158 : memref<128xi32, #tpu.memory_space<vmem>>) semaphore(%arg14 : memref<!tpu.dma_semaphore, #tpu.memory_space<semaphore_mem>>)
      } else {
      }
      %dma_wait3A_90 = arith.constant 0 : i32
      %dma_wait3A_91 = tpu.memref_slice %arg7[%add3A_77, %dma_wait3A_90] : memref<80x128xi32, #tpu.memory_space<vmem>> -> memref<1x128xi32, #tpu.memory_space<vmem>>
      %dma_wait3A_92 = tpu.memref_squeeze %dma_wait3A_91 : memref<1x128xi32, #tpu.memory_space<vmem>> -> memref<128xi32, #tpu.memory_space<vmem>>
      %dma_wait3A_93 = arith.constant 0 : i32
      %dma_wait3A_94 = arith.constant 0 : i32
      %dma_wait3A_95 = tpu.memref_slice %arg2[%dma_wait3A_93, %dma_wait3A_94] : memref<10240x128xf32, #tpu.memory_space<hbm>> -> memref<10240x128xf32, #tpu.memory_space<hbm>>
      tpu.wait_indirect_dma semaphore(%arg15 : memref<!tpu.dma_semaphore, #tpu.memory_space<semaphore_mem>>) src(%dma_wait3A_95 : memref<10240x128xf32, #tpu.memory_space<hbm>>) dst(%arg10 : memref<128x128xf32, #tpu.memory_space<vmem>>)
      %dma_start3A_96 = arith.constant 0 : i32
      %dma_start3A_97 = tpu.memref_slice %arg8[%add3A_77, %dma_start3A_96] : memref<80x128xi32, #tpu.memory_space<vmem>> -> memref<1x128xi32, #tpu.memory_space<vmem>>
      %dma_start3A_98 = tpu.memref_squeeze %dma_start3A_97 : memref<1x128xi32, #tpu.memory_space<vmem>> -> memref<128xi32, #tpu.memory_space<vmem>>
      %dma_start3A_99 = arith.constant 0 : i32
      %dma_start3A_100 = arith.constant 0 : i32
      %dma_start3A_101 = tpu.memref_slice %arg6[%dma_start3A_99, %dma_start3A_100] : memref<5120x128xf32, #tpu.memory_space<vmem_shared>> -> memref<5120x128xf32, #tpu.memory_space<vmem_shared>>
      tpu.enqueue_indirect_dma source(%arg10 : memref<128x128xf32, #tpu.memory_space<vmem>>) target(%dma_start3A_101 : memref<5120x128xf32, #tpu.memory_space<vmem_shared>>) offsets(%dma_start3A_98 : memref<128xi32, #tpu.memory_space<vmem>>) semaphore(%arg19 : memref<!tpu.dma_semaphore, #tpu.memory_space<semaphore_mem>>) {add = true}
      %add3A_102 = arith.constant 2 : i32
      %add3A_103 = arith.addi %add3A_53, %add3A_102 : i32
      %ge3A_104 = arith.constant 1 : i32
      %ge3A_105 = arith.cmpi sge, %add3A_103, %ge3A_104 : i32
      %convert_element_type3A_106 = arith.extui %ge3A_105 : i1 to i32
      %cond3A_107 = arith.constant 0 : i32
      %cond3A_108 = arith.cmpi ne, %convert_element_type3A_106, %cond3A_107 : i32
      scf.if %cond3A_108 {
        %sub3A_154 = arith.constant 1 : i32
        %sub3A_155 = arith.subi %add3A_103, %sub3A_154 : i32
        %dma_wait3A_156 = arith.constant 0 : i32
        %dma_wait3A_157 = tpu.memref_slice %arg8[%sub3A_155, %dma_wait3A_156] : memref<80x128xi32, #tpu.memory_space<vmem>> -> memref<1x128xi32, #tpu.memory_space<vmem>>
        %dma_wait3A_158 = tpu.memref_squeeze %dma_wait3A_157 : memref<1x128xi32, #tpu.memory_space<vmem>> -> memref<128xi32, #tpu.memory_space<vmem>>
        %dma_wait3A_159 = arith.constant 0 : i32
        %dma_wait3A_160 = arith.constant 0 : i32
        %dma_wait3A_161 = tpu.memref_slice %arg6[%dma_wait3A_159, %dma_wait3A_160] : memref<5120x128xf32, #tpu.memory_space<vmem_shared>> -> memref<5120x128xf32, #tpu.memory_space<vmem_shared>>
        tpu.wait_indirect_dma semaphore(%arg19 : memref<!tpu.dma_semaphore, #tpu.memory_space<semaphore_mem>>) src(%arg10 : memref<128x128xf32, #tpu.memory_space<vmem>>) dst(%dma_wait3A_161 : memref<5120x128xf32, #tpu.memory_space<vmem_shared>>)
      } else {
      }
      %add3A_109 = arith.constant 3 : i32
      %add3A_110 = arith.addi %add3A_103, %add3A_109 : i32
      %lt3A_111 = arith.constant 80 : i32
      %lt3A_112 = arith.cmpi slt, %add3A_110, %lt3A_111 : i32
      %convert_element_type3A_113 = arith.extui %lt3A_112 : i1 to i32
      %cond3A_114 = arith.constant 0 : i32
      %cond3A_115 = arith.cmpi ne, %convert_element_type3A_113, %cond3A_114 : i32
      scf.if %cond3A_115 {
        %add3A_154 = arith.constant 3 : i32
        %add3A_155 = arith.addi %add3A_103, %add3A_154 : i32
        %dma_start3A_156 = arith.constant 0 : i32
        %dma_start3A_157 = tpu.memref_slice %arg7[%add3A_155, %dma_start3A_156] : memref<80x128xi32, #tpu.memory_space<vmem>> -> memref<1x128xi32, #tpu.memory_space<vmem>>
        %dma_start3A_158 = tpu.memref_squeeze %dma_start3A_157 : memref<1x128xi32, #tpu.memory_space<vmem>> -> memref<128xi32, #tpu.memory_space<vmem>>
        %dma_start3A_159 = arith.constant 0 : i32
        %dma_start3A_160 = arith.constant 0 : i32
        %dma_start3A_161 = tpu.memref_slice %arg2[%dma_start3A_159, %dma_start3A_160] : memref<10240x128xf32, #tpu.memory_space<hbm>> -> memref<10240x128xf32, #tpu.memory_space<hbm>>
        tpu.enqueue_indirect_dma source(%dma_start3A_161 : memref<10240x128xf32, #tpu.memory_space<hbm>>) target(%arg10 : memref<128x128xf32, #tpu.memory_space<vmem>>) offsets(%dma_start3A_158 : memref<128xi32, #tpu.memory_space<vmem>>) semaphore(%arg15 : memref<!tpu.dma_semaphore, #tpu.memory_space<semaphore_mem>>)
      } else {
      }
      %dma_wait3A_116 = arith.constant 0 : i32
      %dma_wait3A_117 = tpu.memref_slice %arg7[%add3A_103, %dma_wait3A_116] : memref<80x128xi32, #tpu.memory_space<vmem>> -> memref<1x128xi32, #tpu.memory_space<vmem>>
      %dma_wait3A_118 = tpu.memref_squeeze %dma_wait3A_117 : memref<1x128xi32, #tpu.memory_space<vmem>> -> memref<128xi32, #tpu.memory_space<vmem>>
      %dma_wait3A_119 = arith.constant 0 : i32
      %dma_wait3A_120 = arith.constant 0 : i32
      %dma_wait3A_121 = tpu.memref_slice %arg2[%dma_wait3A_119, %dma_wait3A_120] : memref<10240x128xf32, #tpu.memory_space<hbm>> -> memref<10240x128xf32, #tpu.memory_space<hbm>>
      tpu.wait_indirect_dma semaphore(%arg16 : memref<!tpu.dma_semaphore, #tpu.memory_space<semaphore_mem>>) src(%dma_wait3A_121 : memref<10240x128xf32, #tpu.memory_space<hbm>>) dst(%arg11 : memref<128x128xf32, #tpu.memory_space<vmem>>)
      %dma_start3A_122 = arith.constant 0 : i32
      %dma_start3A_123 = tpu.memref_slice %arg8[%add3A_103, %dma_start3A_122] : memref<80x128xi32, #tpu.memory_space<vmem>> -> memref<1x128xi32, #tpu.memory_space<vmem>>
      %dma_start3A_124 = tpu.memref_squeeze %dma_start3A_123 : memref<1x128xi32, #tpu.memory_space<vmem>> -> memref<128xi32, #tpu.memory_space<vmem>>
      %dma_start3A_125 = arith.constant 0 : i32
      %dma_start3A_126 = arith.constant 0 : i32
      %dma_start3A_127 = tpu.memref_slice %arg6[%dma_start3A_125, %dma_start3A_126] : memref<5120x128xf32, #tpu.memory_space<vmem_shared>> -> memref<5120x128xf32, #tpu.memory_space<vmem_shared>>
      tpu.enqueue_indirect_dma source(%arg11 : memref<128x128xf32, #tpu.memory_space<vmem>>) target(%dma_start3A_127 : memref<5120x128xf32, #tpu.memory_space<vmem_shared>>) offsets(%dma_start3A_124 : memref<128xi32, #tpu.memory_space<vmem>>) semaphore(%arg20 : memref<!tpu.dma_semaphore, #tpu.memory_space<semaphore_mem>>) {add = true}
      %add3A_128 = arith.constant 3 : i32
      %add3A_129 = arith.addi %add3A_53, %add3A_128 : i32
      %ge3A_130 = arith.constant 1 : i32
      %ge3A_131 = arith.cmpi sge, %add3A_129, %ge3A_130 : i32
      %convert_element_type3A_132 = arith.extui %ge3A_131 : i1 to i32
      %cond3A_133 = arith.constant 0 : i32
      %cond3A_134 = arith.cmpi ne, %convert_element_type3A_132, %cond3A_133 : i32
      scf.if %cond3A_134 {
        %sub3A_154 = arith.constant 1 : i32
        %sub3A_155 = arith.subi %add3A_129, %sub3A_154 : i32
        %dma_wait3A_156 = arith.constant 0 : i32
        %dma_wait3A_157 = tpu.memref_slice %arg8[%sub3A_155, %dma_wait3A_156] : memref<80x128xi32, #tpu.memory_space<vmem>> -> memref<1x128xi32, #tpu.memory_space<vmem>>
        %dma_wait3A_158 = tpu.memref_squeeze %dma_wait3A_157 : memref<1x128xi32, #tpu.memory_space<vmem>> -> memref<128xi32, #tpu.memory_space<vmem>>
        %dma_wait3A_159 = arith.constant 0 : i32
        %dma_wait3A_160 = arith.constant 0 : i32
        %dma_wait3A_161 = tpu.memref_slice %arg6[%dma_wait3A_159, %dma_wait3A_160] : memref<5120x128xf32, #tpu.memory_space<vmem_shared>> -> memref<5120x128xf32, #tpu.memory_space<vmem_shared>>
        tpu.wait_indirect_dma semaphore(%arg20 : memref<!tpu.dma_semaphore, #tpu.memory_space<semaphore_mem>>) src(%arg11 : memref<128x128xf32, #tpu.memory_space<vmem>>) dst(%dma_wait3A_161 : memref<5120x128xf32, #tpu.memory_space<vmem_shared>>)
      } else {
      }
      %add3A_135 = arith.constant 3 : i32
      %add3A_136 = arith.addi %add3A_129, %add3A_135 : i32
      %lt3A_137 = arith.constant 80 : i32
      %lt3A_138 = arith.cmpi slt, %add3A_136, %lt3A_137 : i32
      %convert_element_type3A_139 = arith.extui %lt3A_138 : i1 to i32
      %cond3A_140 = arith.constant 0 : i32
      %cond3A_141 = arith.cmpi ne, %convert_element_type3A_139, %cond3A_140 : i32
      scf.if %cond3A_141 {
        %add3A_154 = arith.constant 3 : i32
        %add3A_155 = arith.addi %add3A_129, %add3A_154 : i32
        %dma_start3A_156 = arith.constant 0 : i32
        %dma_start3A_157 = tpu.memref_slice %arg7[%add3A_155, %dma_start3A_156] : memref<80x128xi32, #tpu.memory_space<vmem>> -> memref<1x128xi32, #tpu.memory_space<vmem>>
        %dma_start3A_158 = tpu.memref_squeeze %dma_start3A_157 : memref<1x128xi32, #tpu.memory_space<vmem>> -> memref<128xi32, #tpu.memory_space<vmem>>
        %dma_start3A_159 = arith.constant 0 : i32
        %dma_start3A_160 = arith.constant 0 : i32
        %dma_start3A_161 = tpu.memref_slice %arg2[%dma_start3A_159, %dma_start3A_160] : memref<10240x128xf32, #tpu.memory_space<hbm>> -> memref<10240x128xf32, #tpu.memory_space<hbm>>
        tpu.enqueue_indirect_dma source(%dma_start3A_161 : memref<10240x128xf32, #tpu.memory_space<hbm>>) target(%arg11 : memref<128x128xf32, #tpu.memory_space<vmem>>) offsets(%dma_start3A_158 : memref<128xi32, #tpu.memory_space<vmem>>) semaphore(%arg16 : memref<!tpu.dma_semaphore, #tpu.memory_space<semaphore_mem>>)
      } else {
      }
      %dma_wait3A_142 = arith.constant 0 : i32
      %dma_wait3A_143 = tpu.memref_slice %arg7[%add3A_129, %dma_wait3A_142] : memref<80x128xi32, #tpu.memory_space<vmem>> -> memref<1x128xi32, #tpu.memory_space<vmem>>
      %dma_wait3A_144 = tpu.memref_squeeze %dma_wait3A_143 : memref<1x128xi32, #tpu.memory_space<vmem>> -> memref<128xi32, #tpu.memory_space<vmem>>
      %dma_wait3A_145 = arith.constant 0 : i32
      %dma_wait3A_146 = arith.constant 0 : i32
      %dma_wait3A_147 = tpu.memref_slice %arg2[%dma_wait3A_145, %dma_wait3A_146] : memref<10240x128xf32, #tpu.memory_space<hbm>> -> memref<10240x128xf32, #tpu.memory_space<hbm>>
      tpu.wait_indirect_dma semaphore(%arg17 : memref<!tpu.dma_semaphore, #tpu.memory_space<semaphore_mem>>) src(%dma_wait3A_147 : memref<10240x128xf32, #tpu.memory_space<hbm>>) dst(%arg12 : memref<128x128xf32, #tpu.memory_space<vmem>>)
      %dma_start3A_148 = arith.constant 0 : i32
      %dma_start3A_149 = tpu.memref_slice %arg8[%add3A_129, %dma_start3A_148] : memref<80x128xi32, #tpu.memory_space<vmem>> -> memref<1x128xi32, #tpu.memory_space<vmem>>
      %dma_start3A_150 = tpu.memref_squeeze %dma_start3A_149 : memref<1x128xi32, #tpu.memory_space<vmem>> -> memref<128xi32, #tpu.memory_space<vmem>>
      %dma_start3A_151 = arith.constant 0 : i32
      %dma_start3A_152 = arith.constant 0 : i32
      %dma_start3A_153 = tpu.memref_slice %arg6[%dma_start3A_151, %dma_start3A_152] : memref<5120x128xf32, #tpu.memory_space<vmem_shared>> -> memref<5120x128xf32, #tpu.memory_space<vmem_shared>>
      tpu.enqueue_indirect_dma source(%arg12 : memref<128x128xf32, #tpu.memory_space<vmem>>) target(%dma_start3A_153 : memref<5120x128xf32, #tpu.memory_space<vmem_shared>>) offsets(%dma_start3A_150 : memref<128xi32, #tpu.memory_space<vmem>>) semaphore(%arg21 : memref<!tpu.dma_semaphore, #tpu.memory_space<semaphore_mem>>) {add = true}
    }
    %scan3A_35 = arith.constant 20 : i32
    %dma_wait3A = arith.constant 79 : i32
    %dma_wait3A_36 = arith.constant 0 : i32
    %dma_wait3A_37 = tpu.memref_slice %arg8[%dma_wait3A, %dma_wait3A_36] : memref<80x128xi32, #tpu.memory_space<vmem>> -> memref<1x128xi32, #tpu.memory_space<vmem>>
    %dma_wait3A_38 = tpu.memref_squeeze %dma_wait3A_37 : memref<1x128xi32, #tpu.memory_space<vmem>> -> memref<128xi32, #tpu.memory_space<vmem>>
    %dma_wait3A_39 = arith.constant 0 : i32
    %dma_wait3A_40 = arith.constant 0 : i32
    %dma_wait3A_41 = tpu.memref_slice %arg6[%dma_wait3A_39, %dma_wait3A_40] : memref<5120x128xf32, #tpu.memory_space<vmem_shared>> -> memref<5120x128xf32, #tpu.memory_space<vmem_shared>>
    tpu.wait_indirect_dma semaphore(%arg21 : memref<!tpu.dma_semaphore, #tpu.memory_space<semaphore_mem>>) src(%arg12 : memref<128x128xf32, #tpu.memory_space<vmem>>) dst(%dma_wait3A_41 : memref<5120x128xf32, #tpu.memory_space<vmem_shared>>)
    %barrier3A_42 = arith.constant 0 : index
    tpu.barrier barrier_id(%barrier3A_42)
    %mul3A_43 = arith.constant 320 : i32
    %mul3A_44 = arith.muli %arg1, %mul3A_43 : i32
    %mul3A_45 = arith.constant 5120 : i32
    %mul3A_46 = arith.muli %sub3A_0, %mul3A_45 : i32
    %mul3A_47 = arith.constant 320 : i32
    %mul3A_48 = arith.muli %arg1, %mul3A_47 : i32
    %add3A = arith.addi %mul3A_46, %mul3A_48 : i32
    "tpu.region"() ({
      %run_scoped3A = tpu.sem_alloc : memref<!tpu.dma_semaphore, #tpu.memory_space<semaphore_mem>>
      %dma_start3A_49 = arith.constant 0 : i32
      %dma_start3A_50 = tpu.memref_slice %arg5[%add3A, %dma_start3A_49] : memref<10240x128xf32, #tpu.memory_space<hbm>> -> memref<320x128xf32, #tpu.memory_space<hbm>>
      %dma_start3A_51 = arith.constant 0 : i32
      %dma_start3A_52 = tpu.memref_slice %arg6[%mul3A_44, %dma_start3A_51] : memref<5120x128xf32, #tpu.memory_space<vmem_shared>> -> memref<320x128xf32, #tpu.memory_space<vmem_shared>>
      tpu.enqueue_dma source(%dma_start3A_52 : memref<320x128xf32, #tpu.memory_space<vmem_shared>>) target(%dma_start3A_50 : memref<320x128xf32, #tpu.memory_space<hbm>>) target_semaphore(%run_scoped3A : memref<!tpu.dma_semaphore, #tpu.memory_space<semaphore_mem>>)
      %dma_wait3A_53 = arith.constant 0 : i32
      %dma_wait3A_54 = tpu.memref_slice %arg5[%add3A, %dma_wait3A_53] : memref<10240x128xf32, #tpu.memory_space<hbm>> -> memref<320x128xf32, #tpu.memory_space<hbm>>
      %dma_wait3A_55 = arith.constant 0 : i32
      %dma_wait3A_56 = tpu.memref_slice %arg6[%mul3A_44, %dma_wait3A_55] : memref<5120x128xf32, #tpu.memory_space<vmem_shared>> -> memref<320x128xf32, #tpu.memory_space<vmem_shared>>
      tpu.wait_dma2 semaphore(%run_scoped3A : memref<!tpu.dma_semaphore, #tpu.memory_space<semaphore_mem>>) src(%dma_wait3A_56 : memref<320x128xf32, #tpu.memory_space<vmem_shared>>) dst(%dma_wait3A_54 : memref<320x128xf32, #tpu.memory_space<hbm>>)
      tpu.yield
    }) : () -> ()
    return
  }
}

module attributes {stable_mosaic.version = 14 : i64} {
  func.func @body(%arg0: i32, %arg1: memref<640x16xf32, #tpu.memory_space<vmem>>, %arg2: memref<640x128xf32, #tpu.memory_space<vmem>>, %arg3: memref<640x128xf32, #tpu.memory_space<vmem>>) attributes {dimension_semantics = [#tpu.dimension_semantics<arbitrary>], iteration_bounds = array<i64: 16>, scalar_prefetch = 0 : i64, scratch_operands = 0 : i64, tpu.core_type = #tpu.core_type<tc>, window_params = [{transform_indices = @transform_0, window_bounds = array<i64: 640, 16>}, {transform_indices = @transform_1, window_bounds = array<i64: 640, 128>}, {transform_indices = @transform_2, window_bounds = array<i64: 640, 128>}]} {
    %get3A = arith.constant 0 : index
    %get3A_0 = arith.constant 0 : index
    %get3A_1 = vector.load %arg1[%get3A, %get3A_0] : memref<640x16xf32, #tpu.memory_space<vmem>>, vector<640x1xf32>
    %add3A = arith.constant 1.000000e-07 : f32
    %add3A_2 = vector.broadcast %add3A : f32 to vector<640x1xf32>
    %add3A_3 = arith.addf %get3A_1, %add3A_2 : vector<640x1xf32>
    %rsqrt3A = math.rsqrt %add3A_3 : vector<640x1xf32>
    %broadcast_in_dim3A = vector.shape_cast %rsqrt3A : vector<640x1xf32> to vector<640x1xf32>
    %broadcast_in_dim3A_4 = vector.broadcast %broadcast_in_dim3A : vector<640x1xf32> to vector<640x128xf32>
    %get3A_5 = arith.constant 0 : index
    %get3A_6 = arith.constant 0 : index
    %get3A_7 = vector.load %arg2[%get3A_5, %get3A_6] : memref<640x128xf32, #tpu.memory_space<vmem>>, vector<640x128xf32>
    %mul3A = arith.mulf %broadcast_in_dim3A_4, %get3A_7 : vector<640x128xf32>
    %swap3A = arith.constant 0 : index
    %swap3A_8 = arith.constant 0 : index
    %swap3A_9 = vector.load %arg3[%swap3A, %swap3A_8] : memref<640x128xf32, #tpu.memory_space<vmem>>, vector<640x128xf32>
    tpu.vector_store %arg3[%swap3A, %swap3A_8], %mul3A {strides = array<i32>} : memref<640x128xf32, #tpu.memory_space<vmem>>, vector<640x128xf32>,
    return
  }
  func.func @transform_0(%arg0: i32) -> (i32, i32) {
    %c0_i32 = arith.constant 0 : i32
    %c0_i32_0 = arith.constant 0 : i32
    return %arg0, %c0_i32 : i32, i32
  }
  func.func @transform_1(%arg0: i32) -> (i32, i32) {
    %c0_i32 = arith.constant 0 : i32
    %c0_i32_0 = arith.constant 0 : i32
    return %arg0, %c0_i32 : i32, i32
  }
  func.func @transform_2(%arg0: i32) -> (i32, i32) {
    %c0_i32 = arith.constant 0 : i32
    %c0_i32_0 = arith.constant 0 : i32
    return %arg0, %c0_i32 : i32, i32
  }
}

module attributes {stable_mosaic.version = 14 : i64} {
  func.func @body(%arg0: i32, %arg1: memref<640x16xf32, #tpu.memory_space<vmem>>, %arg2: memref<640x128xf32, #tpu.memory_space<vmem>>, %arg3: memref<640x128xf32, #tpu.memory_space<vmem>>) attributes {dimension_semantics = [#tpu.dimension_semantics<arbitrary>], iteration_bounds = array<i64: 16>, scalar_prefetch = 0 : i64, scratch_operands = 0 : i64, tpu.core_type = #tpu.core_type<tc>, window_params = [{transform_indices = @transform_0, window_bounds = array<i64: 640, 16>}, {transform_indices = @transform_1, window_bounds = array<i64: 640, 128>}, {transform_indices = @transform_2, window_bounds = array<i64: 640, 128>}]} {
    %get3A = arith.constant 0 : index
    %get3A_0 = arith.constant 0 : index
    %get3A_1 = vector.load %arg1[%get3A, %get3A_0] : memref<640x16xf32, #tpu.memory_space<vmem>>, vector<640x1xf32>
    %add3A = arith.constant 1.000000e-07 : f32
    %add3A_2 = vector.broadcast %add3A : f32 to vector<640x1xf32>
    %add3A_3 = arith.addf %get3A_1, %add3A_2 : vector<640x1xf32>
    %rsqrt3A = math.rsqrt %add3A_3 : vector<640x1xf32>
    %broadcast_in_dim3A = vector.shape_cast %rsqrt3A : vector<640x1xf32> to vector<640x1xf32>
    %broadcast_in_dim3A_4 = vector.broadcast %broadcast_in_dim3A : vector<640x1xf32> to vector<640x128xf32>
    %get3A_5 = arith.constant 0 : index
    %get3A_6 = arith.constant 0 : index
    %get3A_7 = vector.load %arg2[%get3A_5, %get3A_6] : memref<640x128xf32, #tpu.memory_space<vmem>>, vector<640x128xf32>
    %mul3A = arith.mulf %broadcast_in_dim3A_4, %get3A_7 : vector<640x128xf32>
    %mul3A_8 = arith.mulf %broadcast_in_dim3A_4, %mul3A : vector<640x128xf32>
    %swap3A = arith.constant 0 : index
    %swap3A_9 = arith.constant 0 : index
    %swap3A_10 = vector.load %arg3[%swap3A, %swap3A_9] : memref<640x128xf32, #tpu.memory_space<vmem>>, vector<640x128xf32>
    tpu.vector_store %arg3[%swap3A, %swap3A_9], %mul3A_8 {strides = array<i32>} : memref<640x128xf32, #tpu.memory_space<vmem>>, vector<640x128xf32>,
    return
  }
  func.func @transform_0(%arg0: i32) -> (i32, i32) {
    %c0_i32 = arith.constant 0 : i32
    %c0_i32_0 = arith.constant 0 : i32
    return %arg0, %c0_i32 : i32, i32
  }
  func.func @transform_1(%arg0: i32) -> (i32, i32) {
    %c0_i32 = arith.constant 0 : i32
    %c0_i32_0 = arith.constant 0 : i32
    return %arg0, %c0_i32 : i32, i32
  }
  func.func @transform_2(%arg0: i32) -> (i32, i32) {
    %c0_i32 = arith.constant 0 : i32
    %c0_i32_0 = arith.constant 0 : i32
    return %arg0, %c0_i32 : i32, i32
  }
}

module attributes {stable_mosaic.version = 14 : i64} {
  func.func @body(%arg0: i32, %arg1: memref<640x16xf32, #tpu.memory_space<vmem>>, %arg2: memref<640x128xf32, #tpu.memory_space<vmem>>, %arg3: memref<640x128xf32, #tpu.memory_space<vmem>>, %arg4: memref<640x128xf32, #tpu.memory_space<vmem>>, %arg5: memref<640x128xf32, #tpu.memory_space<vmem>>) attributes {dimension_semantics = [#tpu.dimension_semantics<arbitrary>], iteration_bounds = array<i64: 16>, scalar_prefetch = 0 : i64, scratch_operands = 0 : i64, tpu.core_type = #tpu.core_type<tc>, window_params = [{transform_indices = @transform_0, window_bounds = array<i64: 640, 16>}, {transform_indices = @transform_1, window_bounds = array<i64: 640, 128>}, {transform_indices = @transform_2, window_bounds = array<i64: 640, 128>}, {transform_indices = @transform_3, window_bounds = array<i64: 640, 128>}, {transform_indices = @transform_4, window_bounds = array<i64: 640, 128>}]} {
    %get3A = arith.constant 0 : index
    %get3A_0 = arith.constant 0 : index
    %get3A_1 = vector.load %arg1[%get3A, %get3A_0] : memref<640x16xf32, #tpu.memory_space<vmem>>, vector<640x1xf32>
    %add3A = arith.constant 1.000000e-07 : f32
    %add3A_2 = vector.broadcast %add3A : f32 to vector<640x1xf32>
    %add3A_3 = arith.addf %get3A_1, %add3A_2 : vector<640x1xf32>
    %rsqrt3A = math.rsqrt %add3A_3 : vector<640x1xf32>
    %broadcast_in_dim3A = vector.shape_cast %rsqrt3A : vector<640x1xf32> to vector<640x1xf32>
    %broadcast_in_dim3A_4 = vector.broadcast %broadcast_in_dim3A : vector<640x1xf32> to vector<640x128xf32>
    %get3A_5 = arith.constant 0 : index
    %get3A_6 = arith.constant 0 : index
    %get3A_7 = vector.load %arg2[%get3A_5, %get3A_6] : memref<640x128xf32, #tpu.memory_space<vmem>>, vector<640x128xf32>
    %get3A_8 = arith.constant 0 : index
    %get3A_9 = arith.constant 0 : index
    %get3A_10 = vector.load %arg3[%get3A_8, %get3A_9] : memref<640x128xf32, #tpu.memory_space<vmem>>, vector<640x128xf32>
    %get3A_11 = arith.constant 0 : index
    %get3A_12 = arith.constant 0 : index
    %get3A_13 = vector.load %arg4[%get3A_11, %get3A_12] : memref<640x128xf32, #tpu.memory_space<vmem>>, vector<640x128xf32>
    %add3A_14 = arith.addf %get3A_10, %get3A_13 : vector<640x128xf32>
    %mul3A = arith.mulf %broadcast_in_dim3A_4, %add3A_14 : vector<640x128xf32>
    %add3A_15 = arith.addf %get3A_7, %mul3A : vector<640x128xf32>
    %mul3A_16 = arith.constant 0.333333343 : f32
    %mul3A_17 = vector.broadcast %mul3A_16 : f32 to vector<640x128xf32>
    %mul3A_18 = arith.mulf %add3A_15, %mul3A_17 : vector<640x128xf32>
    %swap3A = arith.constant 0 : index
    %swap3A_19 = arith.constant 0 : index
    %swap3A_20 = vector.load %arg5[%swap3A, %swap3A_19] : memref<640x128xf32, #tpu.memory_space<vmem>>, vector<640x128xf32>
    tpu.vector_store %arg5[%swap3A, %swap3A_19], %mul3A_18 {strides = array<i32>} : memref<640x128xf32, #tpu.memory_space<vmem>>, vector<640x128xf32>,
    return
  }
  func.func @transform_0(%arg0: i32) -> (i32, i32) {
    %c0_i32 = arith.constant 0 : i32
    %c0_i32_0 = arith.constant 0 : i32
    return %arg0, %c0_i32 : i32, i32
  }
  func.func @transform_1(%arg0: i32) -> (i32, i32) {
    %c0_i32 = arith.constant 0 : i32
    %c0_i32_0 = arith.constant 0 : i32
    return %arg0, %c0_i32 : i32, i32
  }
  func.func @transform_2(%arg0: i32) -> (i32, i32) {
    %c0_i32 = arith.constant 0 : i32
    %c0_i32_0 = arith.constant 0 : i32
    return %arg0, %c0_i32 : i32, i32
  }
  func.func @transform_3(%arg0: i32) -> (i32, i32) {
    %c0_i32 = arith.constant 0 : i32
    %c0_i32_0 = arith.constant 0 : i32
    return %arg0, %c0_i32 : i32, i32
  }
  func.func @transform_4(%arg0: i32) -> (i32, i32) {
    %c0_i32 = arith.constant 0 : i32
    %c0_i32_0 = arith.constant 0 : i32
    return %arg0, %c0_i32 : i32, i32
  }
}

</mosaic_0001>

<sc_bundles>
// kernel: kernel.11.cloned.1.call-start
scs
__scs_entry_jumppad:
0x0: {  	(pc) =	sbr.rel $0x88, $3  }
0x1: {  	(tag) =	ssettag $0x0;
	lr =	simm.s32 $0x1  }
0x2: {  	[smem:$0x3F9D] =	sst lr;
	_ =	strace $0xD0000000  }
0x3: {  	_ = 	snop  }
0x4: {  	_ = 	snop  }
0x5: {  	_ = 	snop  }
0x6: {  	_ = 	snop  }
0x7: {  	_ = 	snop  }
__scs_overlays_trampoline_lowered:
0x8: {  	[smem:$0x3FAC] =	sst s0  }
0x9: {  	[smem:$0x3FAD] =	sst s1  }
0xa: {  	[smem:$0x3FAE] =	sst s2  }
0xb: {  	[smem:$0x3FAF] =	sst s3  }
0xc: {  	[smem:$0x3FB0] =	sst s4  }
0xd: {  	[smem:$0x3FB1] =	sst s5  }
0xe: {  	[smem:$0x3FB2] =	sst s6  }
0xf: {  	[smem:$0x3FB3] =	sst s7  }
0x10: {  	[smem:$0x3FB4] =	sst s8  }
0x11: {  	[smem:$0x3FB5] =	sst s9;
	s0 =	simm.s32 @!p0 $0x0  }
0x12: {  	s1 =	sld [smem:$0x3F9B];
	s0 =	simm.s32 @p0 $0x1  }
0x13: {  	[smem:$0x3FB6] =	sst s0;
	s0 =	simm.s32 @!p1 $0x0  }
0x14: {  	s2 =	sld [smem:$0x3F9A];
	s0 =	simm.s32 @p1 $0x1  }
0x15: {  	[smem:$0x3FB7] =	sst s0;
	s0 =	simm.s32 @!p2 $0x0  }
0x16: {  	s3 =	sld [smem:$0x3FDB];
	s0 =	simm.s32 @p2 $0x1  }
0x17: {  	s4 =	simm.s32 $0x1BF5;
	[smem:$0x3FB9] =	sst s0  }
0x18: {  	s0 =	sld [smem:$0x3F9C];
	_ =	swait.ge [sflag:s4], $0x0  }
0x19: {  	s7 =	sld [smem:$0x3F9D]  }
0x1a: {  	s8 =	sadd.s32 $0xFFFFE003, lr  }
0x1b: {  	s9 =	sadd.s32 $0xFFFFFEF7, lr;
	s5 =	simm.s32 $0xFFFFFFFF;
	p2 =	slt.u32 s8, $0xFFFFF086  }
0x1c: {  	p1 =	slt.u32 s9, $0xF7A;
	s5 =	simm.s32 @!p2 $0x0  }
0x1d: {  	s5 =	simm.s32 @p1 $0x1;
	p0 =	seq.s32 s7, s2  }
0x1e: {  	s7 =	smul.u32 @!p0 $0xF7A, s2;
	p2 =	seq.s32 @!p0 s5, $0x0  }
0x1f: {  	s9 =	smul.u32 $0xF7A, s1;
	s8 =	simm.s32 @!p0 $0x1BF5;
	p2 =	por !p2, p0  }
0x20: {  	[sflag:s8] =	ssyncset.s32 @!p0 $0xFFFFF086;
	s6 =	sadd.s32 @!p0 s3, s7;
	s7 =	simm.s32 @!p0 $0x108  }
0x21: {  	s3 =	sadd.s32 s3, s9;
	s6 =	sadd.s32 @!p0 $0x88, s6;
	s7 =	simm.s32 @p2 $0x1082  }
0x22: {  	[simem:s7], [sflag:s8] =	dma.local @!p0 [hbm:s6], $0xF7A  }
0x23: {  	s9 =	sor.u32 $0xD0000000, s2;
	s6 =	simm.s32 $0x108;
	_ =	swait.ge @!p0 [sflag:s8], $0x0  }
0x24: {  	s3 =	sadd.s32 $0x88, s3;
	s6 =	simm.s32 @!p1 $0x1082;
	[sflag:s4] =	ssyncset.s32 $0xFFFFF086  }
0x25: {  	[simem:s6], [sflag:s4] =	dma.local [hbm:s3], $0xF7A  }
0x26: {  	[smem:$0x3F9D] =	sst s1;
	(tag) =	ssettag s2;
	_ =	strace s9  }
0x27: {  	s1 =	sld [smem:$0x3FAD]  }
0x28: {  	s2 =	sld [smem:$0x3FAE]  }
0x29: {  	s4 =	sld [smem:$0x3FB0]  }
0x2a: {  	p0 =	seq.s32 s5, $0x0;
	s5 =	sld [smem:$0x3FB1]  }
0x2b: {  	s6 =	sld [smem:$0x3FB2]  }
0x2c: {  	s7 =	sld [smem:$0x3FB3]  }
0x2d: {  	s3 =	simm.s32 $0x108;
	s8 =	sld [smem:$0x3FB4]  }
0x2e: {  	s3 =	simm.s32 @!p0 $0x1082;
	s9 =	sld [smem:$0x3FB5]  }
0x2f: {  	lr =	sadd.s32 s0, s3;
	s0 =	sld [smem:$0x3FAC]  }
0x30: {  	s3 =	sld [smem:$0x3FAF]  }
0x31: {  	[smem:$0x3FB8] =	sst s10  }
0x32: {  	s10 =	sld [smem:$0x3FB6];
	_ =	sdelay $0x3  }
0x33: {  	p0 =	seq.s32 s10, $0x1;
	s10 =	sld [smem:$0x3FB8];
	_ =	sdelay $0x3  }
0x34: {  	[smem:$0x3FB8] =	sst s10  }
0x35: {  	s10 =	sld [smem:$0x3FB7];
	_ =	sdelay $0x3  }
0x36: {  	p1 =	seq.s32 s10, $0x1;
	s10 =	sld [smem:$0x3FB8];
	_ =	sdelay $0x3  }
0x37: {  	[smem:$0x3FB8] =	sst s10  }
0x38: {  	s10 =	sld [smem:$0x3FB9]  }
0x39: {  	_ = 	snop;
	(pc) =	sbr.ind lr, $3  }
0x3a: {  	_ = 	snop  }
0x3b: {  	_ = 	snop  }
0x3c: {  	p2 =	seq.s32 s10, $0x1;
	s10 =	sld [smem:$0x3FB8]  }
0x3d: {  	_ =	shalt  }
0x3e: {  	_ =	shalt  }
0x3f: {  	_ =	shalt  }
0x40: {  	_ =	shalt  }
0x41: {  	_ =	shalt  }
0x42: {  	_ =	shalt  }
0x43: {  	_ =	shalt  }
0x44: {  	_ =	shalt  }
0x45: {  	_ =	shalt  }
0x46: {  	_ =	shalt  }
0x47: {  	_ =	shalt  }
0x48: {  	_ =	shalt  }
0x49: {  	_ =	shalt  }
0x4a: {  	_ =	shalt  }
0x4b: {  	_ =	shalt  }
0x4c: {  	_ =	shalt  }
0x4d: {  	_ =	shalt  }
0x4e: {  	_ =	shalt  }
0x4f: {  	_ =	shalt  }
0x50: {  	_ =	shalt  }
0x51: {  	_ =	shalt  }
0x52: {  	_ =	shalt  }
0x53: {  	_ =	shalt  }
0x54: {  	_ =	shalt  }
0x55: {  	_ =	shalt  }
0x56: {  	_ =	shalt  }
0x57: {  	_ =	shalt  }
0x58: {  	_ =	shalt  }
0x59: {  	_ =	shalt  }
0x5a: {  	_ =	shalt  }
0x5b: {  	_ =	shalt  }
0x5c: {  	_ =	shalt  }
0x5d: {  	_ =	shalt  }
0x5e: {  	_ =	shalt  }
0x5f: {  	_ =	shalt  }
0x60: {  	_ =	shalt  }
0x61: {  	_ =	shalt  }
0x62: {  	_ =	shalt  }
0x63: {  	_ =	shalt  }
0x64: {  	_ =	shalt  }
0x65: {  	_ =	shalt  }
0x66: {  	_ =	shalt  }
0x67: {  	_ =	shalt  }
0x68: {  	_ =	shalt  }
0x69: {  	_ =	shalt  }
0x6a: {  	_ =	shalt  }
0x6b: {  	_ =	shalt  }
0x6c: {  	_ =	shalt  }
0x6d: {  	_ =	shalt  }
0x6e: {  	_ =	shalt  }
0x6f: {  	_ =	shalt  }
0x70: {  	_ =	shalt  }
0x71: {  	_ =	shalt  }
0x72: {  	_ =	shalt  }
0x73: {  	_ =	shalt  }
0x74: {  	_ =	shalt  }
0x75: {  	_ =	shalt  }
0x76: {  	_ =	shalt  }
0x77: {  	_ =	shalt  }
0x78: {  	_ =	shalt  }
0x79: {  	_ =	shalt  }
0x7a: {  	_ =	shalt  }
0x7b: {  	_ =	shalt  }
0x7c: {  	_ =	shalt  }
0x7d: {  	_ =	shalt  }
0x7e: {  	_ =	shalt  }
0x7f: {  	_ =	shalt  }
0x80: {  	_ =	shalt  }
0x81: {  	_ =	shalt  }
0x82: {  	_ =	shalt  }
0x83: {  	_ =	shalt  }
0x84: {  	_ =	shalt  }
0x85: {  	_ =	shalt  }
0x86: {  	_ =	shalt  }
0x87: {  	_ =	shalt  }
.Lfunc_end0:
.L_simem_size_0:
called_computation.1_lowered:
.L_overlay_start_0:
0x88: {  	s2 =	sld [smem:$0x3FD9]  }
0x89: {  	s3 =	sld [smem:$0x3FFE];
	_ =	sdelay $0x1  }
0x8a: {  	s1 =	srdreg.scid  }
0x8b: {  	s0 =	sand.u32 $0x1, s1  }
0x8c: {  	s14 =	sshll.u32 s0, $0xA;
	s2 =	sadd.s32 s3, s2  }
0x8d: {  	s2 =	sadd.s32 s2, s14  }
0x8e: {  	[smem:$0x3FC4] =	sst s2  }
0x8f: {  	_ = 	snop  }
0x90: {  	s2 =	sld [smem:$0x3FD0];
	_ =	sdelay $0x2  }
0x91: {  	s15 =	simm.s32 $0xA;
	s4 =	simm.s32 $0x10  }
0x92: {  	[smem:s4], [sflag:s15] =	dma.local [hbm:s2], $0x1  }
0x93: {  	_ =	swait.eq [sflag:s15], $0x1  }
0x94: {  	[sflag:s15] =	ssyncset.done $0x0  }
0x95: {  	s16 =	sld [smem:$0x10];
	[sflag:s15] =	ssyncadd.s32 $0xFFFFFFFF  }
0x96: {  	s17 =	sld [smem:$0x11];
	(tm) =	ssettm $0x1  }
0x97: {  	s18 =	sld [smem:$0x3FFB];
	_ =	sdelay $0x3  }
0x98: {  	_ =	strace s18  }
0x99: {  	s4 =	sld [smem:$0x3FFC];
	_ =	sdelay $0x3  }
0x9a: {  	_ =	strace s4  }
0x9b: {  	s4 =	sld [smem:$0x3FFD];
	_ =	sdelay $0x3  }
0x9c: {  	_ =	strace s4  }
0x9d: {  	_ =	strace $0x8FFFFFFF  }
0x9e: {  	s19 =	sld [smem:$0x3FDB];
	_ =	sdelay $0x1  }
0x9f: {  	s5 =	simm.s32 $_scs_section_size  }
0xa0: {  	s6 =	simm.s32 $_size__tile_overlayer_lowered;
	s7 =	simm.s32 $_tile_overlayer_lowered  }
0xa1: {  	s22 =	simm.s32 $0x1BFF;
	s21 =	sshll.u32 s7, $0x1;
	s4 =	sadd.s32 s5, s19  }
0xa2: {  	s8 =	simm.s32 $0x0;
	s20 =	sshll.u32 s6, $0x1;
	s6 =	sadd.s32 s21, s4  }
0xa3: {  	[timem:s8], [sflag:s22] =	dma.local [hbm:s6], s20  }
0xa4: {  	_ =	swait.ge [sflag:s22], s20  }
0xa5: {  	s5 =	ssub.s32 $0x0, s20;
	[sflag:s22] =	ssyncset.done $0x0  }
0xa6: {  	[sflag:s22] =	ssyncadd.s32 s5;
	_ =	sdelay $0x1  }
0xa7: {  	s23 =	simm.s32 $0x1B8B  }
0xa8: {  	_ =	swait.ge [sflag:s23], $0x1  }
0xa9: {  	[sflag:s23] =	ssyncset.done $0x0  }
0xaa: {  	s25 =	simm.s32 $0x1B8E;
	s24 =	sld [smem:$0x3FFE];
	[sflag:s23] =	ssyncadd.s32 $0xFFFFFFFF  }
0xab: {  	s26 =	simm.s32 $execute0_lowered;
	[smem:$0x3FD2] =	sst s25  }
0xac: {  	s6 =	sshll.u32 s26, $0x1;
	_ =	strace $0x80000049;
	[dreg:$0x1] =	wrdreg $0xFFFFFFFF  }
0xad: {  	s28 =	simm.s32 $_size_execute0_lowered;
	s4 =	sadd.s32 s4, s6;
	[dreg:$0x0] =	wrdreg $0x0  }
0xae: {  	s6 =	sshll.u32 s28, $0x1;
	[dreg:$0x2] =	wrdreg s4  }
0xaf: {  	[dreg:$0x3] =	wrdreg s6  }
0xb0: {  	[dreg:$0x4] =	wrdreg $0xC0  }
0xb1: {  	_ =	task [dreg:s8], $0x5FFFF  }
0xb2: {  	[dreg:$0x1] =	wrdreg $0xFFFFFFFF  }
0xb3: {  	[dreg:$0x0] =	wrdreg $0x60  }
0xb4: {  	[dreg:$0x2] =	wrdreg s24  }
0xb5: {  	[dreg:$0x3] =	wrdreg s16  }
0xb6: {  	[dreg:$0x4] =	wrdreg s17  }
0xb7: {  	[dreg:$0x5] =	wrdreg $0x0  }
0xb8: {  	[dreg:$0x6] =	wrdreg $0x9  }
0xb9: {  	_ =	task.clear_ibuf [dreg:s8], $0x7FFFF;
	_ =	strace $0x90000049  }
0xba: {  	s29 =	simm.s32 $0x9;
	_ =	strace $0x8000004B  }
0xbb: {  	_ =	swait.ge [sflag:s29], $0x1  }
0xbc: {  	[sflag:s29] =	ssyncadd.s32 $0xFFFFFFFF  }
0xbd: {  	_ =	strace $0x9000004B  }
0xbe: {  	_ =	sfence  }
0xbf: {  	s30 =	sld [smem:$0x0];
	_ =	sdelay $0x2  }
0xc0: {  	s31 =	sshll.u32 s1, $0xD;
	s1 =	sshrl.u32 s1, $0x2  }
0xc1: {  	s3 =	sand.u32 $0x4000, s31;
	s1 =	sadd.s32 s1, s30  }
0xc2: {  	s0 =	sor.u32 s3, s0;
	s1 =	sshll.u32 s1, $0x11  }
0xc3: {  	s0 =	sor.u32 s1, s0  }
0xc4: {  	s0 =	sadd.s32 $0x8F2B, s0  }
0xc5: {  	[sflag:s0] =	ssyncadd.remote.s32 $0x1  }
0xc6: {  	_ =	sfence.sel $0xFFFF  }
0xc7: {  	[dreg:$0x0] =	wrdreg $0xFFFFFFFF;
	(pc) =	sbr.abs _section_cstart, $3  }
0xc8: {  	[dreg:$0x1] =	wrdreg $0xFFFFFFFF  }
0xc9: {  	_ =	task.clear_ibuf [dreg:s8], $0x2FFFF;
	_ =	strace $0x9FFFFFFF  }
0xca: {  	(tm) =	ssettm $0x7FFFFFFF  }
0xcb: {  	_ =	shalt  }
tec
execute0_lowered:
.L_overlay_start_1:
0x0: {  	(tag) =	ssettag $0x1  }
0x1: {  	s0 =	rddreg [dreg:$0x0];
	s1 =	srdreg.scid  }
0x2: {  	s6 =	rddreg [dreg:$0x1];
	s11 =	stileid.u32  }
0x3: {  	s7 =	rddreg [dreg:$0x2];
	s8 =	smul.u32 $0x1400, s11  }
0x4: {  	s2 =	rddreg [dreg:$0x3];
	s9 =	smul.u32 $0x28000, s11  }
0x5: {  	s3 =	simm.s32 $0x0;
	s1 =	sand.u32 $0x1, s1;
	s11 =	smul.u32 $0x2800, s11  }
0x6: {  	[smem:$0x7FF] =	sst s3;
	s4 =	sxor.u32 $0x1, s1;
	s10 =	smul.u32 $0x28000, s1  }
0x7: {  	_ =	strace $0x8000004A;
	s1 =	ssub.s32 $0x2, s1;
	s5 =	smul.u32 $0x14000, s4  }
0x8: {  	s26 =	sshrl.u32 s1, $0x1;
	s12 =	smul.u32 $0x28000, s4;
	s4 =	sadd.s32 $0x1E00, s0  }
0x9: {  	s9 =	sshrl.u32 s9, $0x2;
	s1 =	ssub.s32 s1, s26;
	s10 =	sadd.s32 s11, s10  }
0xa: {  	s5 =	sadd.s32 s8, s5;
	s12 =	sadd.s32 s11, s12;
	s8 =	sshrl.u32 s10, $0x3  }
0xb: {  	s14 =	smax.u32 s1, $0x1;
	s0 =	sadd.s32 s5, s0;
	s5 =	sadd.s32 s9, s2  }
0xc: {  	s9 =	sshrl.u32 s12, $0x3;
	s6 =	sadd.s32 s6, s8;
	[dreg:$0x8] =	wrdreg s14  }
0xd: {  	[dreg:$0x5] =	wrdreg s6;
	s13 =	sadd.s32 s7, s9  }
0xe: {  	s30 =	simm.s32 $0x1F000;
	s0 =	sadd.s32 $0x29E00, s0;
	[dreg:$0x6] =	wrdreg s13  }
0xf: {  	s31 =	simm.s32 $0x9;
	s15 =	sadd.s32 $0x800, s5;
	[dreg:$0x7] =	wrdreg s0  }
0x10: {  	s1 =	simm.s32 $0xA000;
	s16 =	sadd.s32 $0x1000, s5;
	[dreg:$0x9] =	wrdreg s15  }
0x11: {  	s10 =	simm.s32 $0x1B000;
	s17 =	sadd.s32 $0x1800, s5;
	[dreg:$0xa] =	wrdreg s16  }
0x12: {  	s11 =	simm.s32 $0x1;
	s18 =	sadd.s32 $0x2000, s5;
	[dreg:$0xb] =	wrdreg s17  }
0x13: {  	s8 =	simm.s32 $0x13000;
	s19 =	sadd.s32 $0x2800, s5;
	[dreg:$0xc] =	wrdreg s18  }
0x14: {  	s12 =	simm.s32 $0x5;
	s20 =	sadd.s32 $0x3000, s5;
	[dreg:$0xd] =	wrdreg s19  }
0x15: {  	s14 =	simm.s32 $0x6;
	s21 =	sadd.s32 $0x3800, s5;
	[dreg:$0xe] =	wrdreg s20  }
0x16: {  	s22 =	sadd.s32 $0x4000, s5;
	s23 =	sadd.s32 $0x4800, s5;
	[dreg:$0xf] =	wrdreg s21  }
0x17: {  	s24 =	sadd.s32 $0x5000, s5;
	s25 =	sadd.s32 $0x5800, s5;
	[dreg:$0x10] =	wrdreg s22  }
0x18: {  	s26 =	sadd.s32 $0x6000, s5;
	s28 =	sadd.s32 $0x9000, s5;
	[dreg:$0x11] =	wrdreg s23  }
0x19: {  	s29 =	sadd.s32 $0x9800, s5;
	s6 =	simm.s32 $0x80;
	[dreg:$0x12] =	wrdreg s24  }
0x1a: {  	s7 =	simm.s32 $0xF000;
	s9 =	simm.s32 $0x17000;
	[dreg:$0x13] =	wrdreg s25  }
0x1b: {  	[dreg:$0x14] =	wrdreg s26;
	s22 =	sadd.s32 $0x6800, s5;
	s23 =	sadd.s32 $0x7000, s5  }
0x1c: {  	s24 =	sadd.s32 $0x7800, s5;
	s25 =	sadd.s32 $0x8000, s5;
	s26 =	sadd.s32 $0x8800, s5  }
0x1d: {  	s0 =	simm.s32 $0xC800;
	s13 =	simm.s32 $0x2;
	s15 =	simm.s32 $0x3  }
0x1e: {  	v0 =	vimm.f32 $0.0e+00;
	s16 =	simm.s32 $0x7;
	s17 =	simm.s32 $0x4;
	s18 =	simm.s32 $0x8  }
.LBB2_1:
0x1f: {  	s19 =	simm.s32 $0x0;
	s20 =	simm.s32 $0x200  }
.LBB2_2:
0x20: {  	p0 =	sne.s32 s20, $0x1E00;
	[tilespmem:s19+$0x1F070] =	vst v0  }
0x21: {  	[tilespmem:s19+$0x1F000] =	vst v0  }
0x22: {  	[tilespmem:s19+$0x1F010] =	vst v0  }
.Ltmp0:
0x23: {  	[tilespmem:s19+$0x1F020] =	vst v0;
	(pc) =	sbr.rel @p0 .LBB2_2-.Ltmp0, $4  }
0x24: {  	[tilespmem:s19+$0x1F030] =	vst v0  }
0x25: {  	[tilespmem:s19+$0x1F040] =	vst v0  }
0x26: {  	[tilespmem:s19+$0x1F050] =	vst v0  }
0x27: {  	[tilespmem:s19+$0x1F060] =	vst v0;
	s19 =	sshra.s32 s20, $0x2;
	s20 =	sadd.s32 $0x200, s20  }
0x28: {  	[tilespmem:s19+$0x1F070] =	vst v0  }
0x29: {  	[tilespmem:s19+$0x1F000] =	vst v0  }
0x2a: {  	[tilespmem:s19+$0x1F010] =	vst v0  }
0x2b: {  	[tilespmem:s19+$0x1F020] =	vst v0  }
0x2c: {  	[tilespmem:s19+$0x1F030] =	vst v0  }
0x2d: {  	[tilespmem:s19+$0x1F040] =	vst v0  }
0x2e: {  	[tilespmem:s19+$0x1F050] =	vst v0  }
0x2f: {  	[tilespmem:s19+$0x1F060] =	vst v0  }
0x30: {  	[spmem:s5] =	stream.linear.scatter [tilespmem:s30], [sflag:$0x9], $0x800, $0x38;
	[tilespmem:$0x1F800] =	vst v63  }
0x31: {  	_ =	swait.ge [sflag:s31], $0x800  }
0x32: {  	[sflag:s31] =	ssyncset.done $0x0  }
0x33: {  	s21 =	rddreg [dreg:$0x9];
	[sflag:s31] =	ssyncadd.s32 $0xFFFFF800  }
0x34: {  	[spmem:s21] =	stream.linear.scatter [tilespmem:s30], [sflag:$0x9], $0x800, $0x38;
	[tilespmem:$0x1F800] =	vst v63  }
0x35: {  	_ =	swait.ge [sflag:s31], $0x800  }
0x36: {  	[sflag:s31] =	ssyncset.done $0x0  }
0x37: {  	s20 =	rddreg [dreg:$0xa];
	[sflag:s31] =	ssyncadd.s32 $0xFFFFF800  }
0x38: {  	[spmem:s20] =	stream.linear.scatter [tilespmem:s30], [sflag:$0x9], $0x800, $0x38;
	[tilespmem:$0x1F800] =	vst v63  }
0x39: {  	_ =	swait.ge [sflag:s31], $0x800  }
0x3a: {  	[sflag:s31] =	ssyncset.done $0x0  }
0x3b: {  	s21 =	rddreg [dreg:$0xb];
	[sflag:s31] =	ssyncadd.s32 $0xFFFFF800  }
0x3c: {  	[spmem:s21] =	stream.linear.scatter [tilespmem:s30], [sflag:$0x9], $0x800, $0x38;
	[tilespmem:$0x1F800] =	vst v63  }
0x3d: {  	_ =	swait.ge [sflag:s31], $0x800  }
0x3e: {  	[sflag:s31] =	ssyncset.done $0x0  }
0x3f: {  	s20 =	rddreg [dreg:$0xc];
	[sflag:s31] =	ssyncadd.s32 $0xFFFFF800  }
0x40: {  	[spmem:s20] =	stream.linear.scatter [tilespmem:s30], [sflag:$0x9], $0x800, $0x38;
	[tilespmem:$0x1F800] =	vst v63  }
0x41: {  	_ =	swait.ge [sflag:s31], $0x800  }
0x42: {  	[sflag:s31] =	ssyncset.done $0x0  }
0x43: {  	s21 =	rddreg [dreg:$0xd];
	[sflag:s31] =	ssyncadd.s32 $0xFFFFF800  }
0x44: {  	[spmem:s21] =	stream.linear.scatter [tilespmem:s30], [sflag:$0x9], $0x800, $0x38;
	[tilespmem:$0x1F800] =	vst v63  }
0x45: {  	_ =	swait.ge [sflag:s31], $0x800  }
0x46: {  	[sflag:s31] =	ssyncset.done $0x0  }
0x47: {  	s20 =	rddreg [dreg:$0xe];
	[sflag:s31] =	ssyncadd.s32 $0xFFFFF800  }
0x48: {  	[spmem:s20] =	stream.linear.scatter [tilespmem:s30], [sflag:$0x9], $0x800, $0x38;
	[tilespmem:$0x1F800] =	vst v63  }
0x49: {  	_ =	swait.ge [sflag:s31], $0x800  }
0x4a: {  	[sflag:s31] =	ssyncset.done $0x0  }
0x4b: {  	s21 =	rddreg [dreg:$0xf];
	[sflag:s31] =	ssyncadd.s32 $0xFFFFF800  }
0x4c: {  	[spmem:s21] =	stream.linear.scatter [tilespmem:s30], [sflag:$0x9], $0x800, $0x38;
	[tilespmem:$0x1F800] =	vst v63  }
0x4d: {  	_ =	swait.ge [sflag:s31], $0x800  }
0x4e: {  	[sflag:s31] =	ssyncset.done $0x0  }
0x4f: {  	s20 =	rddreg [dreg:$0x10];
	[sflag:s31] =	ssyncadd.s32 $0xFFFFF800  }
0x50: {  	[spmem:s20] =	stream.linear.scatter [tilespmem:s30], [sflag:$0x9], $0x800, $0x38;
	[tilespmem:$0x1F800] =	vst v63  }
0x51: {  	_ =	swait.ge [sflag:s31], $0x800  }
0x52: {  	[sflag:s31] =	ssyncset.done $0x0  }
0x53: {  	s21 =	rddreg [dreg:$0x11];
	[sflag:s31] =	ssyncadd.s32 $0xFFFFF800  }
0x54: {  	[spmem:s21] =	stream.linear.scatter [tilespmem:s30], [sflag:$0x9], $0x800, $0x38;
	[tilespmem:$0x1F800] =	vst v63  }
0x55: {  	_ =	swait.ge [sflag:s31], $0x800  }
0x56: {  	[sflag:s31] =	ssyncset.done $0x0  }
0x57: {  	s20 =	rddreg [dreg:$0x12];
	[sflag:s31] =	ssyncadd.s32 $0xFFFFF800  }
0x58: {  	[spmem:s20] =	stream.linear.scatter [tilespmem:s30], [sflag:$0x9], $0x800, $0x38;
	[tilespmem:$0x1F800] =	vst v63  }
0x59: {  	_ =	swait.ge [sflag:s31], $0x800  }
0x5a: {  	[sflag:s31] =	ssyncset.done $0x0  }
0x5b: {  	s21 =	rddreg [dreg:$0x13];
	[sflag:s31] =	ssyncadd.s32 $0xFFFFF800  }
0x5c: {  	[spmem:s21] =	stream.linear.scatter [tilespmem:s30], [sflag:$0x9], $0x800, $0x38;
	[tilespmem:$0x1F800] =	vst v63  }
0x5d: {  	_ =	swait.ge [sflag:s31], $0x800  }
0x5e: {  	[sflag:s31] =	ssyncset.done $0x0  }
0x5f: {  	s20 =	rddreg [dreg:$0x14];
	[sflag:s31] =	ssyncadd.s32 $0xFFFFF800  }
0x60: {  	[spmem:s20] =	stream.linear.scatter [tilespmem:s30], [sflag:$0x9], $0x800, $0x38;
	[tilespmem:$0x1F800] =	vst v63  }
0x61: {  	_ =	swait.ge [sflag:s31], $0x800  }
0x62: {  	[sflag:s31] =	ssyncset.done $0x0  }
0x63: {  	[sflag:s31] =	ssyncadd.s32 $0xFFFFF800  }
0x64: {  	[spmem:s22] =	stream.linear.scatter [tilespmem:s30], [sflag:$0x9], $0x800, $0x38;
	[tilespmem:$0x1F800] =	vst v63  }
0x65: {  	_ =	swait.ge [sflag:s31], $0x800  }
0x66: {  	[sflag:s31] =	ssyncset.done $0x0  }
0x67: {  	[sflag:s31] =	ssyncadd.s32 $0xFFFFF800  }
0x68: {  	[spmem:s23] =	stream.linear.scatter [tilespmem:s30], [sflag:$0x9], $0x800, $0x38;
	[tilespmem:$0x1F800] =	vst v63  }
0x69: {  	_ =	swait.ge [sflag:s31], $0x800  }
0x6a: {  	[sflag:s31] =	ssyncset.done $0x0  }
0x6b: {  	[sflag:s31] =	ssyncadd.s32 $0xFFFFF800  }
0x6c: {  	[spmem:s24] =	stream.linear.scatter [tilespmem:s30], [sflag:$0x9], $0x800, $0x38;
	[tilespmem:$0x1F800] =	vst v63  }
0x6d: {  	_ =	swait.ge [sflag:s31], $0x800  }
0x6e: {  	[sflag:s31] =	ssyncset.done $0x0  }
0x6f: {  	[sflag:s31] =	ssyncadd.s32 $0xFFFFF800  }
0x70: {  	[spmem:s25] =	stream.linear.scatter [tilespmem:s30], [sflag:$0x9], $0x800, $0x38;
	[tilespmem:$0x1F800] =	vst v63  }
0x71: {  	_ =	swait.ge [sflag:s31], $0x800  }
0x72: {  	[sflag:s31] =	ssyncset.done $0x0  }
0x73: {  	[sflag:s31] =	ssyncadd.s32 $0xFFFFF800  }
0x74: {  	[spmem:s26] =	stream.linear.scatter [tilespmem:s30], [sflag:$0x9], $0x800, $0x38;
	[tilespmem:$0x1F800] =	vst v63  }
0x75: {  	_ =	swait.ge [sflag:s31], $0x800  }
0x76: {  	[sflag:s31] =	ssyncset.done $0x0  }
0x77: {  	[sflag:s31] =	ssyncadd.s32 $0xFFFFF800  }
0x78: {  	[spmem:s28] =	stream.linear.scatter [tilespmem:s30], [sflag:$0x9], $0x800, $0x38;
	[tilespmem:$0x1F800] =	vst v63  }
0x79: {  	_ =	swait.ge [sflag:s31], $0x800  }
0x7a: {  	[sflag:s31] =	ssyncset.done $0x0  }
0x7b: {  	[sflag:s31] =	ssyncadd.s32 $0xFFFFF800  }
0x7c: {  	[spmem:s29] =	stream.linear.scatter [tilespmem:s30], [sflag:$0x9], $0x800, $0x38;
	[tilespmem:$0x1F800] =	vst v63  }
0x7d: {  	_ =	swait.ge [sflag:s31], $0x800  }
0x7e: {  	[sflag:s31] =	ssyncset.done $0x0  }
0x7f: {  	[sflag:s31] =	ssyncadd.s32 $0xFFFFF800  }
0x80: {  	[bflag:$0x0] =	sbarrier.arrive $0xFFFF  }
0x81: {  	s19 =	simm.s32 $0x0;
	s20 =	rddreg [dreg:$0x5]  }
0x82: {  	[tilespmem:s1], [sflag:$0x9] =	stream.linear.gather [hbm4b:s20+s19], $0x2800, $0x38;
	[tilespmem:$0x1F800] =	vst v63  }
0x83: {  	_ =	swait.ge [sflag:s31], $0x2800  }
0x84: {  	[sflag:s31] =	ssyncset.done $0x0  }
0x85: {  	s21 =	rddreg [dreg:$0x6];
	[sflag:s31] =	ssyncadd.s32 $0xFFFFD800  }
0x86: {  	[tilespmem:s0], [sflag:$0x9] =	stream.linear.gather [hbm4b:s21+s19], $0x2800, $0x38;
	[tilespmem:$0x1F800] =	vst v63  }
0x87: {  	_ =	swait.ge [sflag:s31], $0x2800  }
0x88: {  	[sflag:s31] =	ssyncset.done $0x0  }
0x89: {  	[sflag:s31] =	ssyncadd.s32 $0xFFFFD800  }
0x8a: {  	[tilespmem:s7], [sflag:$0x1] =	stream.indirect.gather [hbm4b:s4+s6], $0x80, s1, s6, $0xb8;
	[tilespmem:$0x1F800] =	vst v63  }
0x8b: {  	s20 =	simm.s32 $0xA080  }
0x8c: {  	[tilespmem:s8], [sflag:$0x2] =	stream.indirect.gather [hbm4b:s4+s6], $0x80, s20, s6, $0xb8;
	[tilespmem:$0x1F800] =	vst v63  }
0x8d: {  	s21 =	simm.s32 $0xA100  }
0x8e: {  	[tilespmem:s9], [sflag:$0x3] =	stream.indirect.gather [hbm4b:s4+s6], $0x80, s21, s6, $0xb8;
	[tilespmem:$0x1F800] =	vst v63  }
0x8f: {  	s20 =	simm.s32 $0xA180  }
0x90: {  	[tilespmem:s10], [sflag:$0x4] =	stream.indirect.gather [hbm4b:s4+s6], $0x80, s20, s6, $0xb8;
	[tilespmem:$0x1F800] =	vst v63  }
0x91: {  	_ =	swait.ge [sflag:s11], $0x4000  }
0x92: {  	[sflag:s11] =	ssyncset.done $0x0  }
0x93: {  	[sflag:s11] =	ssyncadd.s32 $0xFFFFC000  }
0x94: {  	[spmem:s2] =	stream.indirect.scatter.add.f32 [tilespmem:s7], [sflag:$0x5], $0x80, s0, s6, $0xb8;
	[tilespmem:$0x1F800] =	vst v63  }
0x95: {  	_ =	swait.ge [sflag:s12], $0x4000  }
0x96: {  	[sflag:s12] =	ssyncset.done $0x0  }
0x97: {  	s21 =	simm.s32 $0xA200;
	[sflag:s12] =	ssyncadd.s32 $0xFFFFC000  }
0x98: {  	[tilespmem:s7], [sflag:$0x1] =	stream.indirect.gather [hbm4b:s4+s6], $0x80, s21, s6, $0xb8;
	[tilespmem:$0x1F800] =	vst v63  }
0x99: {  	_ =	swait.ge [sflag:s13], $0x4000  }
0x9a: {  	[sflag:s13] =	ssyncset.done $0x0  }
0x9b: {  	s20 =	simm.s32 $0xC880;
	[sflag:s13] =	ssyncadd.s32 $0xFFFFC000  }
0x9c: {  	[spmem:s2] =	stream.indirect.scatter.add.f32 [tilespmem:s8], [sflag:$0x6], $0x80, s20, s6, $0xb8;
	[tilespmem:$0x1F800] =	vst v63  }
0x9d: {  	_ =	swait.ge [sflag:s14], $0x4000  }
0x9e: {  	[sflag:s14] =	ssyncset.done $0x0  }
0x9f: {  	s21 =	simm.s32 $0xA280;
	[sflag:s14] =	ssyncadd.s32 $0xFFFFC000  }
0xa0: {  	[tilespmem:s8], [sflag:$0x2] =	stream.indirect.gather [hbm4b:s4+s6], $0x80, s21, s6, $0xb8;
	[tilespmem:$0x1F800] =	vst v63  }
0xa1: {  	_ =	swait.ge [sflag:s15], $0x4000  }
0xa2: {  	[sflag:s15] =	ssyncset.done $0x0  }
0xa3: {  	s20 =	simm.s32 $0xC900;
	[sflag:s15] =	ssyncadd.s32 $0xFFFFC000  }
0xa4: {  	[spmem:s2] =	stream.indirect.scatter.add.f32 [tilespmem:s9], [sflag:$0x7], $0x80, s20, s6, $0xb8;
	[tilespmem:$0x1F800] =	vst v63  }
0xa5: {  	_ =	swait.ge [sflag:s16], $0x4000  }
0xa6: {  	[sflag:s16] =	ssyncset.done $0x0  }
0xa7: {  	s21 =	simm.s32 $0xA300;
	[sflag:s16] =	ssyncadd.s32 $0xFFFFC000  }
0xa8: {  	[tilespmem:s9], [sflag:$0x3] =	stream.indirect.gather [hbm4b:s4+s6], $0x80, s21, s6, $0xb8;
	[tilespmem:$0x1F800] =	vst v63  }
0xa9: {  	_ =	swait.ge [sflag:s17], $0x4000  }
0xaa: {  	[sflag:s17] =	ssyncset.done $0x0  }
0xab: {  	s20 =	simm.s32 $0xC980;
	[sflag:s17] =	ssyncadd.s32 $0xFFFFC000  }
0xac: {  	[spmem:s2] =	stream.indirect.scatter.add.f32 [tilespmem:s10], [sflag:$0x8], $0x80, s20, s6, $0xb8;
	[tilespmem:$0x1F800] =	vst v63  }
0xad: {  	_ =	swait.ge [sflag:s18], $0x4000  }
0xae: {  	[sflag:s18] =	ssyncset.done $0x0  }
0xaf: {  	s21 =	simm.s32 $0xA380;
	[sflag:s18] =	ssyncadd.s32 $0xFFFFC000  }
0xb0: {  	[tilespmem:s10], [sflag:$0x4] =	stream.indirect.gather [hbm4b:s4+s6], $0x80, s21, s6, $0xb8;
	[tilespmem:$0x1F800] =	vst v63  }
0xb1: {  	_ =	swait.ge [sflag:s11], $0x4000  }
0xb2: {  	[sflag:s11] =	ssyncset.done $0x0  }
0xb3: {  	s20 =	simm.s32 $0xCA00;
	[sflag:s11] =	ssyncadd.s32 $0xFFFFC000  }
0xb4: {  	[spmem:s2] =	stream.indirect.scatter.add.f32 [tilespmem:s7], [sflag:$0x5], $0x80, s20, s6, $0xb8;
	[tilespmem:$0x1F800] =	vst v63  }
0xb5: {  	_ =	swait.ge [sflag:s12], $0x4000  }
0xb6: {  	[sflag:s12] =	ssyncset.done $0x0  }
0xb7: {  	s21 =	simm.s32 $0xA400;
	[sflag:s12] =	ssyncadd.s32 $0xFFFFC000  }
0xb8: {  	[tilespmem:s7], [sflag:$0x1] =	stream.indirect.gather [hbm4b:s4+s6], $0x80, s21, s6, $0xb8;
	[tilespmem:$0x1F800] =	vst v63  }
0xb9: {  	_ =	swait.ge [sflag:s13], $0x4000  }
0xba: {  	[sflag:s13] =	ssyncset.done $0x0  }
0xbb: {  	s20 =	simm.s32 $0xCA80;
	[sflag:s13] =	ssyncadd.s32 $0xFFFFC000  }
0xbc: {  	[spmem:s2] =	stream.indirect.scatter.add.f32 [tilespmem:s8], [sflag:$0x6], $0x80, s20, s6, $0xb8;
	[tilespmem:$0x1F800] =	vst v63  }
0xbd: {  	_ =	swait.ge [sflag:s14], $0x4000  }
0xbe: {  	[sflag:s14] =	ssyncset.done $0x0  }
0xbf: {  	s21 =	simm.s32 $0xA480;
	[sflag:s14] =	ssyncadd.s32 $0xFFFFC000  }
0xc0: {  	[tilespmem:s8], [sflag:$0x2] =	stream.indirect.gather [hbm4b:s4+s6], $0x80, s21, s6, $0xb8;
	[tilespmem:$0x1F800] =	vst v63  }
0xc1: {  	_ =	swait.ge [sflag:s15], $0x4000  }
0xc2: {  	[sflag:s15] =	ssyncset.done $0x0  }
0xc3: {  	s20 =	simm.s32 $0xCB00;
	[sflag:s15] =	ssyncadd.s32 $0xFFFFC000  }
0xc4: {  	[spmem:s2] =	stream.indirect.scatter.add.f32 [tilespmem:s9], [sflag:$0x7], $0x80, s20, s6, $0xb8;
	[tilespmem:$0x1F800] =	vst v63  }
0xc5: {  	_ =	swait.ge [sflag:s16], $0x4000  }
0xc6: {  	[sflag:s16] =	ssyncset.done $0x0  }
0xc7: {  	s21 =	simm.s32 $0xA500;
	[sflag:s16] =	ssyncadd.s32 $0xFFFFC000  }
0xc8: {  	[tilespmem:s9], [sflag:$0x3] =	stream.indirect.gather [hbm4b:s4+s6], $0x80, s21, s6, $0xb8;
	[tilespmem:$0x1F800] =	vst v63  }
0xc9: {  	_ =	swait.ge [sflag:s17], $0x4000  }
0xca: {  	[sflag:s17] =	ssyncset.done $0x0  }
0xcb: {  	s19 =	simm.s32 $0x800;
	s20 =	simm.s32 $0xCB80;
	[sflag:s17] =	ssyncadd.s32 $0xFFFFC000  }
.LBB2_4:
0xcc: {  	[spmem:s2] =	stream.indirect.scatter.add.f32 [tilespmem:s10], [sflag:$0x8], $0x80, s20, s6, $0xb8;
	[tilespmem:$0x1F800] =	vst v63  }
0xcd: {  	s20 =	smov.u32 s19  }
0xce: {  	p0 =	sne.s32 s19, $0x8800;
	s19 =	sadd.s32 $0x800, s19;
	_ =	swait.ge [sflag:s18], $0x4000  }
0xcf: {  	s20 =	sshra.s32 s20, $0x2;
	[sflag:s18] =	ssyncset.done $0x0  }
0xd0: {  	s21 =	sadd.s32 $0xA380, s20;
	[sflag:s18] =	ssyncadd.s32 $0xFFFFC000  }
0xd1: {  	[tilespmem:s10], [sflag:$0x4] =	stream.indirect.gather [hbm4b:s4+s6], $0x80, s21, s6, $0xb8;
	[tilespmem:$0x1F800] =	vst v63  }
0xd2: {  	_ =	swait.ge [sflag:s11], $0x4000  }
0xd3: {  	[sflag:s11] =	ssyncset.done $0x0  }
0xd4: {  	s21 =	sadd.s32 $0xCA00, s20;
	[sflag:s11] =	ssyncadd.s32 $0xFFFFC000  }
0xd5: {  	[spmem:s2] =	stream.indirect.scatter.add.f32 [tilespmem:s7], [sflag:$0x5], $0x80, s21, s6, $0xb8;
	[tilespmem:$0x1F800] =	vst v63  }
0xd6: {  	_ =	swait.ge [sflag:s12], $0x4000  }
0xd7: {  	[sflag:s12] =	ssyncset.done $0x0  }
0xd8: {  	s21 =	sadd.s32 $0xA400, s20;
	[sflag:s12] =	ssyncadd.s32 $0xFFFFC000  }
0xd9: {  	[tilespmem:s7], [sflag:$0x1] =	stream.indirect.gather [hbm4b:s4+s6], $0x80, s21, s6, $0xb8;
	[tilespmem:$0x1F800] =	vst v63  }
0xda: {  	_ =	swait.ge [sflag:s13], $0x4000  }
0xdb: {  	[sflag:s13] =	ssyncset.done $0x0  }
0xdc: {  	s21 =	sadd.s32 $0xCA80, s20;
	[sflag:s13] =	ssyncadd.s32 $0xFFFFC000  }
0xdd: {  	[spmem:s2] =	stream.indirect.scatter.add.f32 [tilespmem:s8], [sflag:$0x6], $0x80, s21, s6, $0xb8;
	[tilespmem:$0x1F800] =	vst v63  }
0xde: {  	_ =	swait.ge [sflag:s14], $0x4000  }
0xdf: {  	[sflag:s14] =	ssyncset.done $0x0  }
0xe0: {  	s21 =	sadd.s32 $0xA480, s20;
	[sflag:s14] =	ssyncadd.s32 $0xFFFFC000  }
0xe1: {  	[tilespmem:s8], [sflag:$0x2] =	stream.indirect.gather [hbm4b:s4+s6], $0x80, s21, s6, $0xb8;
	[tilespmem:$0x1F800] =	vst v63  }
0xe2: {  	_ =	swait.ge [sflag:s15], $0x4000  }
0xe3: {  	[sflag:s15] =	ssyncset.done $0x0  }
0xe4: {  	s21 =	sadd.s32 $0xCB00, s20;
	[sflag:s15] =	ssyncadd.s32 $0xFFFFC000  }
0xe5: {  	[spmem:s2] =	stream.indirect.scatter.add.f32 [tilespmem:s9], [sflag:$0x7], $0x80, s21, s6, $0xb8;
	[tilespmem:$0x1F800] =	vst v63  }
0xe6: {  	_ =	swait.ge [sflag:s16], $0x4000  }
0xe7: {  	[sflag:s16] =	ssyncset.done $0x0  }
.Ltmp1:
0xe8: {  	s21 =	sadd.s32 $0xA500, s20;
	[sflag:s16] =	ssyncadd.s32 $0xFFFFC000;
	(pc) =	sbr.rel @p0 .LBB2_4-.Ltmp1, $4  }
0xe9: {  	[tilespmem:s9], [sflag:$0x3] =	stream.indirect.gather [hbm4b:s4+s6], $0x80, s21, s6, $0xb8;
	[tilespmem:$0x1F800] =	vst v63  }
0xea: {  	_ =	swait.ge [sflag:s17], $0x4000  }
0xeb: {  	[sflag:s17] =	ssyncset.done $0x0  }
0xec: {  	s20 =	sadd.s32 $0xCB80, s20;
	[sflag:s17] =	ssyncadd.s32 $0xFFFFC000  }
0xed: {  	[spmem:s2] =	stream.indirect.scatter.add.f32 [tilespmem:s10], [sflag:$0x8], $0x80, s20, s6, $0xb8;
	[tilespmem:$0x1F800] =	vst v63  }
0xee: {  	_ =	swait.ge [sflag:s18], $0x4000  }
0xef: {  	[sflag:s18] =	ssyncset.done $0x0  }
0xf0: {  	s19 =	simm.s32 $0xC780;
	[sflag:s18] =	ssyncadd.s32 $0xFFFFC000  }
0xf1: {  	[tilespmem:s10], [sflag:$0x4] =	stream.indirect.gather [hbm4b:s4+s6], $0x80, s19, s6, $0xb8;
	[tilespmem:$0x1F800] =	vst v63  }
0xf2: {  	_ =	swait.ge [sflag:s11], $0x4000  }
0xf3: {  	[sflag:s11] =	ssyncset.done $0x0  }
0xf4: {  	s20 =	simm.s32 $0xEE00;
	[sflag:s11] =	ssyncadd.s32 $0xFFFFC000  }
0xf5: {  	[spmem:s2] =	stream.indirect.scatter.add.f32 [tilespmem:s7], [sflag:$0x5], $0x80, s20, s6, $0xb8;
	[tilespmem:$0x1F800] =	vst v63  }
0xf6: {  	_ =	swait.ge [sflag:s12], $0x4000  }
0xf7: {  	[sflag:s12] =	ssyncset.done $0x0  }
0xf8: {  	[sflag:s12] =	ssyncadd.s32 $0xFFFFC000  }
0xf9: {  	_ =	swait.ge [sflag:s13], $0x4000  }
0xfa: {  	[sflag:s13] =	ssyncset.done $0x0  }
0xfb: {  	s21 =	simm.s32 $0xEE80;
	[sflag:s13] =	ssyncadd.s32 $0xFFFFC000  }
0xfc: {  	[spmem:s2] =	stream.indirect.scatter.add.f32 [tilespmem:s8], [sflag:$0x6], $0x80, s21, s6, $0xb8;
	[tilespmem:$0x1F800] =	vst v63  }
0xfd: {  	_ =	swait.ge [sflag:s14], $0x4000  }
0xfe: {  	[sflag:s14] =	ssyncset.done $0x0  }
0xff: {  	[sflag:s14] =	ssyncadd.s32 $0xFFFFC000  }
0x100: {  	_ =	swait.ge [sflag:s15], $0x4000  }
0x101: {  	[sflag:s15] =	ssyncset.done $0x0  }
0x102: {  	s20 =	simm.s32 $0xEF00;
	[sflag:s15] =	ssyncadd.s32 $0xFFFFC000  }
0x103: {  	[spmem:s2] =	stream.indirect.scatter.add.f32 [tilespmem:s9], [sflag:$0x7], $0x80, s20, s6, $0xb8;
	[tilespmem:$0x1F800] =	vst v63  }
0x104: {  	_ =	swait.ge [sflag:s16], $0x4000  }
0x105: {  	[sflag:s16] =	ssyncset.done $0x0  }
0x106: {  	[sflag:s16] =	ssyncadd.s32 $0xFFFFC000  }
0x107: {  	_ =	swait.ge [sflag:s17], $0x4000  }
0x108: {  	[sflag:s17] =	ssyncset.done $0x0  }
0x109: {  	s21 =	simm.s32 $0xEF80;
	[sflag:s17] =	ssyncadd.s32 $0xFFFFC000  }
0x10a: {  	[spmem:s2] =	stream.indirect.scatter.add.f32 [tilespmem:s10], [sflag:$0x8], $0x80, s21, s6, $0xb8;
	[tilespmem:$0x1F800] =	vst v63  }
0x10b: {  	_ =	swait.ge [sflag:s18], $0x4000  }
0x10c: {  	[sflag:s18] =	ssyncset.done $0x0  }
0x10d: {  	s20 =	stileid.u32;
	[sflag:s18] =	ssyncadd.s32 $0xFFFFC000  }
0x10e: {  	s19 =	sshll.u32 s20, $0x6;
	[bflag:$0x0] =	sbarrier.arrive $0xFFFF  }
0x10f: {  	s20 =	sshrl.u32 s5, $0x3;
	s19 =	sor.u32 $0x1C09, s19;
	s21 =	rddreg [dreg:$0x7]  }
0x110: {  	[hbm:s21], [sflag:s19] =	dma.local [spmem:s20], $0x1400  }
0x111: {  	_ =	swait.ge [sflag:s31], $0x1400  }
0x112: {  	s3 =	sadd.s32 $0x1, s3;
	s21 =	rddreg [dreg:$0x8]  }
0x113: {  	p0 =	sne.s32 s3, s21  }
.Ltmp2:
0x114: {  	_ = 	snop;
	(pc) =	sbr.rel @p0 .LBB2_1-.Ltmp2, $3  }
0x115: {  	_ =	sdelay $0x1  }
0x116: {  	[sflag:s31] =	ssyncset.done $0x0  }
0x117: {  	[sflag:s31] =	ssyncadd.s32 $0xFFFFEC00  }
0x118: {  	_ =	sfence.sel $0x180000  }
0x119: {  	[bflag:$0x0] =	sbarrier.arrive $0xFFFF  }
0x11a: {  	_ =	strace $0x9000004A  }
0x11b: {  	s0 =	stileid.u32;
	[bflag:$0x2] =	sbarrier.arrive $0xFFFF  }
0x11c: {  	p0 =	sne.s32 s0, $0x0;
	s0 =	rddreg [dreg:$0x4]  }
0x11d: {  	s0 =	sadd.s32 @!p0 $0x100000, s0  }
0x11e: {  	[sflag:s0] =	ssyncadd.tile.s32 @!p0 $0x1;
	_ =	shalt  }
.Lfunc_end2:
_tile_overlayer_lowered:
.L_overlay_start_2:
0x11f: {  	(tag) =	ssettag $0x2  }
0x120: {  	s0 =	rddreg [dreg:$0x0];
	s2 =	stileid.u32  }
0x121: {  	s1 =	rddreg [dreg:$0x1];
	p0 =	sne.s32 s2, $0x0  }
0x122: {  	s3 =	rddreg [dreg:$0x2];
	[bflag:$0x3] =	sbarrier.arrive $0xFFFF;
	s2 =	simm.s32 @!p0 $0x1C09  }
0x123: {  	[timem:s3], [sflag:s2] =	dma.local @!p0 [hbm:s0], s1  }
0x124: {  	s0 =	simm.s32 @!p0 $0x9  }
0x125: {  	_ =	swait.ge @!p0 [sflag:s0], s1  }
0x126: {  	s1 =	ssub.s32 @!p0 $0x0, s1;
	[sflag:s0] =	ssyncset.done @!p0 $0x0  }
0x127: {  	[sflag:s0] =	ssyncadd.s32 @!p0 s1  }
0x128: {  	[bflag:$0x3] =	sbarrier.arrive $0xFFFF  }
0x129: {  	_ =	shalt  }

// kernel: kernel.14.cloned.1.call-start
scs
__scs_entry_jumppad:
0x0: {  	(pc) =	sbr.rel $0x88, $3  }
0x1: {  	(tag) =	ssettag $0x0;
	lr =	simm.s32 $0x1  }
0x2: {  	[smem:$0x3F9D] =	sst lr;
	_ =	strace $0xD0000000  }
0x3: {  	_ = 	snop  }
0x4: {  	_ = 	snop  }
0x5: {  	_ = 	snop  }
0x6: {  	_ = 	snop  }
0x7: {  	_ = 	snop  }
__scs_overlays_trampoline_lowered:
0x8: {  	[smem:$0x3FAC] =	sst s0  }
0x9: {  	[smem:$0x3FAD] =	sst s1  }
0xa: {  	[smem:$0x3FAE] =	sst s2  }
0xb: {  	[smem:$0x3FAF] =	sst s3  }
0xc: {  	[smem:$0x3FB0] =	sst s4  }
0xd: {  	[smem:$0x3FB1] =	sst s5  }
0xe: {  	[smem:$0x3FB2] =	sst s6  }
0xf: {  	[smem:$0x3FB3] =	sst s7  }
0x10: {  	[smem:$0x3FB4] =	sst s8  }
0x11: {  	[smem:$0x3FB5] =	sst s9;
	s0 =	simm.s32 @!p0 $0x0  }
0x12: {  	s1 =	sld [smem:$0x3F9B];
	s0 =	simm.s32 @p0 $0x1  }
0x13: {  	[smem:$0x3FB6] =	sst s0;
	s0 =	simm.s32 @!p1 $0x0  }
0x14: {  	s2 =	sld [smem:$0x3F9A];
	s0 =	simm.s32 @p1 $0x1  }
0x15: {  	[smem:$0x3FB7] =	sst s0;
	s0 =	simm.s32 @!p2 $0x0  }
0x16: {  	s3 =	sld [smem:$0x3FDB];
	s0 =	simm.s32 @p2 $0x1  }
0x17: {  	s4 =	simm.s32 $0x1BF5;
	[smem:$0x3FB9] =	sst s0  }
0x18: {  	s0 =	sld [smem:$0x3F9C];
	_ =	swait.ge [sflag:s4], $0x0  }
0x19: {  	s7 =	sld [smem:$0x3F9D]  }
0x1a: {  	s8 =	sadd.s32 $0xFFFFE003, lr  }
0x1b: {  	s9 =	sadd.s32 $0xFFFFFEF7, lr;
	s5 =	simm.s32 $0xFFFFFFFF;
	p2 =	slt.u32 s8, $0xFFFFF086  }
0x1c: {  	p1 =	slt.u32 s9, $0xF7A;
	s5 =	simm.s32 @!p2 $0x0  }
0x1d: {  	s5 =	simm.s32 @p1 $0x1;
	p0 =	seq.s32 s7, s2  }
0x1e: {  	s7 =	smul.u32 @!p0 $0xF7A, s2;
	p2 =	seq.s32 @!p0 s5, $0x0  }
0x1f: {  	s9 =	smul.u32 $0xF7A, s1;
	s8 =	simm.s32 @!p0 $0x1BF5;
	p2 =	por !p2, p0  }
0x20: {  	[sflag:s8] =	ssyncset.s32 @!p0 $0xFFFFF086;
	s6 =	sadd.s32 @!p0 s3, s7;
	s7 =	simm.s32 @!p0 $0x108  }
0x21: {  	s3 =	sadd.s32 s3, s9;
	s6 =	sadd.s32 @!p0 $0x88, s6;
	s7 =	simm.s32 @p2 $0x1082  }
0x22: {  	[simem:s7], [sflag:s8] =	dma.local @!p0 [hbm:s6], $0xF7A  }
0x23: {  	s9 =	sor.u32 $0xD0000000, s2;
	s6 =	simm.s32 $0x108;
	_ =	swait.ge @!p0 [sflag:s8], $0x0  }
0x24: {  	s3 =	sadd.s32 $0x88, s3;
	s6 =	simm.s32 @!p1 $0x1082;
	[sflag:s4] =	ssyncset.s32 $0xFFFFF086  }
0x25: {  	[simem:s6], [sflag:s4] =	dma.local [hbm:s3], $0xF7A  }
0x26: {  	[smem:$0x3F9D] =	sst s1;
	(tag) =	ssettag s2;
	_ =	strace s9  }
0x27: {  	s1 =	sld [smem:$0x3FAD]  }
0x28: {  	s2 =	sld [smem:$0x3FAE]  }
0x29: {  	s4 =	sld [smem:$0x3FB0]  }
0x2a: {  	p0 =	seq.s32 s5, $0x0;
	s5 =	sld [smem:$0x3FB1]  }
0x2b: {  	s6 =	sld [smem:$0x3FB2]  }
0x2c: {  	s7 =	sld [smem:$0x3FB3]  }
0x2d: {  	s3 =	simm.s32 $0x108;
	s8 =	sld [smem:$0x3FB4]  }
0x2e: {  	s3 =	simm.s32 @!p0 $0x1082;
	s9 =	sld [smem:$0x3FB5]  }
0x2f: {  	lr =	sadd.s32 s0, s3;
	s0 =	sld [smem:$0x3FAC]  }
0x30: {  	s3 =	sld [smem:$0x3FAF]  }
0x31: {  	[smem:$0x3FB8] =	sst s10  }
0x32: {  	s10 =	sld [smem:$0x3FB6];
	_ =	sdelay $0x3  }
0x33: {  	p0 =	seq.s32 s10, $0x1;
	s10 =	sld [smem:$0x3FB8];
	_ =	sdelay $0x3  }
0x34: {  	[smem:$0x3FB8] =	sst s10  }
0x35: {  	s10 =	sld [smem:$0x3FB7];
	_ =	sdelay $0x3  }
0x36: {  	p1 =	seq.s32 s10, $0x1;
	s10 =	sld [smem:$0x3FB8];
	_ =	sdelay $0x3  }
0x37: {  	[smem:$0x3FB8] =	sst s10  }
0x38: {  	s10 =	sld [smem:$0x3FB9]  }
0x39: {  	_ = 	snop;
	(pc) =	sbr.ind lr, $3  }
0x3a: {  	_ = 	snop  }
0x3b: {  	_ = 	snop  }
0x3c: {  	p2 =	seq.s32 s10, $0x1;
	s10 =	sld [smem:$0x3FB8]  }
0x3d: {  	_ =	shalt  }
0x3e: {  	_ =	shalt  }
0x3f: {  	_ =	shalt  }
0x40: {  	_ =	shalt  }
0x41: {  	_ =	shalt  }
0x42: {  	_ =	shalt  }
0x43: {  	_ =	shalt  }
0x44: {  	_ =	shalt  }
0x45: {  	_ =	shalt  }
0x46: {  	_ =	shalt  }
0x47: {  	_ =	shalt  }
0x48: {  	_ =	shalt  }
0x49: {  	_ =	shalt  }
0x4a: {  	_ =	shalt  }
0x4b: {  	_ =	shalt  }
0x4c: {  	_ =	shalt  }
0x4d: {  	_ =	shalt  }
0x4e: {  	_ =	shalt  }
0x4f: {  	_ =	shalt  }
0x50: {  	_ =	shalt  }
0x51: {  	_ =	shalt  }
0x52: {  	_ =	shalt  }
0x53: {  	_ =	shalt  }
0x54: {  	_ =	shalt  }
0x55: {  	_ =	shalt  }
0x56: {  	_ =	shalt  }
0x57: {  	_ =	shalt  }
0x58: {  	_ =	shalt  }
0x59: {  	_ =	shalt  }
0x5a: {  	_ =	shalt  }
0x5b: {  	_ =	shalt  }
0x5c: {  	_ =	shalt  }
0x5d: {  	_ =	shalt  }
0x5e: {  	_ =	shalt  }
0x5f: {  	_ =	shalt  }
0x60: {  	_ =	shalt  }
0x61: {  	_ =	shalt  }
0x62: {  	_ =	shalt  }
0x63: {  	_ =	shalt  }
0x64: {  	_ =	shalt  }
0x65: {  	_ =	shalt  }
0x66: {  	_ =	shalt  }
0x67: {  	_ =	shalt  }
0x68: {  	_ =	shalt  }
0x69: {  	_ =	shalt  }
0x6a: {  	_ =	shalt  }
0x6b: {  	_ =	shalt  }
0x6c: {  	_ =	shalt  }
0x6d: {  	_ =	shalt  }
0x6e: {  	_ =	shalt  }
0x6f: {  	_ =	shalt  }
0x70: {  	_ =	shalt  }
0x71: {  	_ =	shalt  }
0x72: {  	_ =	shalt  }
0x73: {  	_ =	shalt  }
0x74: {  	_ =	shalt  }
0x75: {  	_ =	shalt  }
0x76: {  	_ =	shalt  }
0x77: {  	_ =	shalt  }
0x78: {  	_ =	shalt  }
0x79: {  	_ =	shalt  }
0x7a: {  	_ =	shalt  }
0x7b: {  	_ =	shalt  }
0x7c: {  	_ =	shalt  }
0x7d: {  	_ =	shalt  }
0x7e: {  	_ =	shalt  }
0x7f: {  	_ =	shalt  }
0x80: {  	_ =	shalt  }
0x81: {  	_ =	shalt  }
0x82: {  	_ =	shalt  }
0x83: {  	_ =	shalt  }
0x84: {  	_ =	shalt  }
0x85: {  	_ =	shalt  }
0x86: {  	_ =	shalt  }
0x87: {  	_ =	shalt  }
.Lfunc_end0:
.L_simem_size_0:
called_computation.2_lowered:
.L_overlay_start_0:
0x88: {  	s2 =	sld [smem:$0x3FD9]  }
0x89: {  	s3 =	sld [smem:$0x3FFE];
	_ =	sdelay $0x1  }
0x8a: {  	s1 =	srdreg.scid  }
0x8b: {  	s0 =	sand.u32 $0x1, s1  }
0x8c: {  	s14 =	sshll.u32 s0, $0xA;
	s2 =	sadd.s32 s3, s2  }
0x8d: {  	s2 =	sadd.s32 s2, s14  }
0x8e: {  	[smem:$0x3FC4] =	sst s2  }
0x8f: {  	_ = 	snop  }
0x90: {  	s2 =	sld [smem:$0x3FD0];
	_ =	sdelay $0x2  }
0x91: {  	s15 =	simm.s32 $0xA;
	s4 =	simm.s32 $0x10  }
0x92: {  	[smem:s4], [sflag:s15] =	dma.local [hbm:s2], $0x1  }
0x93: {  	_ =	swait.eq [sflag:s15], $0x1  }
0x94: {  	[sflag:s15] =	ssyncset.done $0x0  }
0x95: {  	s16 =	sld [smem:$0x10];
	[sflag:s15] =	ssyncadd.s32 $0xFFFFFFFF  }
0x96: {  	s17 =	sld [smem:$0x11];
	(tm) =	ssettm $0x1  }
0x97: {  	s18 =	sld [smem:$0x3FFB];
	_ =	sdelay $0x3  }
0x98: {  	_ =	strace s18  }
0x99: {  	s4 =	sld [smem:$0x3FFC];
	_ =	sdelay $0x3  }
0x9a: {  	_ =	strace s4  }
0x9b: {  	s4 =	sld [smem:$0x3FFD];
	_ =	sdelay $0x3  }
0x9c: {  	_ =	strace s4  }
0x9d: {  	_ =	strace $0x8FFFFFFF  }
0x9e: {  	s19 =	sld [smem:$0x3FDB];
	_ =	sdelay $0x1  }
0x9f: {  	s5 =	simm.s32 $_scs_section_size  }
0xa0: {  	s6 =	simm.s32 $_size__tile_overlayer_lowered;
	s7 =	simm.s32 $_tile_overlayer_lowered  }
0xa1: {  	s22 =	simm.s32 $0x1BFF;
	s21 =	sshll.u32 s7, $0x1;
	s4 =	sadd.s32 s5, s19  }
0xa2: {  	s8 =	simm.s32 $0x0;
	s20 =	sshll.u32 s6, $0x1;
	s6 =	sadd.s32 s21, s4  }
0xa3: {  	[timem:s8], [sflag:s22] =	dma.local [hbm:s6], s20  }
0xa4: {  	_ =	swait.ge [sflag:s22], s20  }
0xa5: {  	s5 =	ssub.s32 $0x0, s20;
	[sflag:s22] =	ssyncset.done $0x0  }
0xa6: {  	[sflag:s22] =	ssyncadd.s32 s5;
	_ =	sdelay $0x1  }
0xa7: {  	s23 =	simm.s32 $0x1B8B  }
0xa8: {  	_ =	swait.ge [sflag:s23], $0x1  }
0xa9: {  	[sflag:s23] =	ssyncset.done $0x0  }
0xaa: {  	s25 =	simm.s32 $0x1B8E;
	s24 =	sld [smem:$0x3FFE];
	[sflag:s23] =	ssyncadd.s32 $0xFFFFFFFF  }
0xab: {  	s26 =	simm.s32 $execute0_lowered;
	[smem:$0x3FD2] =	sst s25  }
0xac: {  	s6 =	sshll.u32 s26, $0x1;
	_ =	strace $0x8000004C;
	[dreg:$0x1] =	wrdreg $0xFFFFFFFF  }
0xad: {  	s28 =	simm.s32 $_size_execute0_lowered;
	s4 =	sadd.s32 s4, s6;
	[dreg:$0x0] =	wrdreg $0x0  }
0xae: {  	s6 =	sshll.u32 s28, $0x1;
	[dreg:$0x2] =	wrdreg s4  }
0xaf: {  	[dreg:$0x3] =	wrdreg s6  }
0xb0: {  	[dreg:$0x4] =	wrdreg $0xC0  }
0xb1: {  	_ =	task [dreg:s8], $0x5FFFF  }
0xb2: {  	[dreg:$0x1] =	wrdreg $0xFFFFFFFF  }
0xb3: {  	[dreg:$0x0] =	wrdreg $0x60  }
0xb4: {  	[dreg:$0x2] =	wrdreg s24  }
0xb5: {  	[dreg:$0x3] =	wrdreg s16  }
0xb6: {  	[dreg:$0x4] =	wrdreg s17  }
0xb7: {  	[dreg:$0x5] =	wrdreg $0x0  }
0xb8: {  	[dreg:$0x6] =	wrdreg $0x9  }
0xb9: {  	_ =	task.clear_ibuf [dreg:s8], $0x7FFFF;
	_ =	strace $0x9000004C  }
0xba: {  	s29 =	simm.s32 $0x9;
	_ =	strace $0x8000004E  }
0xbb: {  	_ =	swait.ge [sflag:s29], $0x1  }
0xbc: {  	[sflag:s29] =	ssyncadd.s32 $0xFFFFFFFF  }
0xbd: {  	_ =	strace $0x9000004E  }
0xbe: {  	_ =	sfence  }
0xbf: {  	s30 =	sld [smem:$0x0];
	_ =	sdelay $0x2  }
0xc0: {  	s31 =	sshll.u32 s1, $0xD;
	s1 =	sshrl.u32 s1, $0x2  }
0xc1: {  	s3 =	sand.u32 $0x4000, s31;
	s1 =	sadd.s32 s1, s30  }
0xc2: {  	s0 =	sor.u32 s3, s0;
	s1 =	sshll.u32 s1, $0x11  }
0xc3: {  	s0 =	sor.u32 s1, s0  }
0xc4: {  	s0 =	sadd.s32 $0x8F2B, s0  }
0xc5: {  	[sflag:s0] =	ssyncadd.remote.s32 $0x1  }
0xc6: {  	_ =	sfence.sel $0xFFFF  }
0xc7: {  	[dreg:$0x0] =	wrdreg $0xFFFFFFFF;
	(pc) =	sbr.abs _section_cstart, $3  }
0xc8: {  	[dreg:$0x1] =	wrdreg $0xFFFFFFFF  }
0xc9: {  	_ =	task.clear_ibuf [dreg:s8], $0x2FFFF;
	_ =	strace $0x9FFFFFFF  }
0xca: {  	(tm) =	ssettm $0x7FFFFFFF  }
0xcb: {  	_ =	shalt  }
tec
execute0_lowered:
.L_overlay_start_1:
0x0: {  	(tag) =	ssettag $0x1  }
0x1: {  	s0 =	rddreg [dreg:$0x0];
	s1 =	srdreg.scid  }
0x2: {  	s6 =	rddreg [dreg:$0x1];
	s11 =	stileid.u32  }
0x3: {  	s7 =	rddreg [dreg:$0x2];
	s8 =	smul.u32 $0x1400, s11  }
0x4: {  	s2 =	rddreg [dreg:$0x3];
	s9 =	smul.u32 $0x28000, s11  }
0x5: {  	s3 =	simm.s32 $0x0;
	s1 =	sand.u32 $0x1, s1;
	s11 =	smul.u32 $0x2800, s11  }
0x6: {  	[smem:$0x7FF] =	sst s3;
	s4 =	sxor.u32 $0x1, s1;
	s10 =	smul.u32 $0x28000, s1  }
0x7: {  	_ =	strace $0x8000004D;
	s1 =	ssub.s32 $0x2, s1;
	s5 =	smul.u32 $0x14000, s4  }
0x8: {  	s26 =	sshrl.u32 s1, $0x1;
	s12 =	smul.u32 $0x28000, s4;
	s4 =	sadd.s32 $0x1E00, s0  }
0x9: {  	s9 =	sshrl.u32 s9, $0x2;
	s1 =	ssub.s32 s1, s26;
	s10 =	sadd.s32 s11, s10  }
0xa: {  	s5 =	sadd.s32 s8, s5;
	s12 =	sadd.s32 s11, s12;
	s8 =	sshrl.u32 s10, $0x3  }
0xb: {  	s14 =	smax.u32 s1, $0x1;
	s0 =	sadd.s32 s5, s0;
	s5 =	sadd.s32 s9, s2  }
0xc: {  	s9 =	sshrl.u32 s12, $0x3;
	s6 =	sadd.s32 s6, s8;
	[dreg:$0x8] =	wrdreg s14  }
0xd: {  	[dreg:$0x5] =	wrdreg s6;
	s13 =	sadd.s32 s7, s9  }
0xe: {  	s30 =	simm.s32 $0x1F000;
	s0 =	sadd.s32 $0x29E00, s0;
	[dreg:$0x6] =	wrdreg s13  }
0xf: {  	s31 =	simm.s32 $0x9;
	s15 =	sadd.s32 $0x800, s5;
	[dreg:$0x7] =	wrdreg s0  }
0x10: {  	s1 =	simm.s32 $0xA000;
	s16 =	sadd.s32 $0x1000, s5;
	[dreg:$0x9] =	wrdreg s15  }
0x11: {  	s10 =	simm.s32 $0x1B000;
	s17 =	sadd.s32 $0x1800, s5;
	[dreg:$0xa] =	wrdreg s16  }
0x12: {  	s11 =	simm.s32 $0x1;
	s18 =	sadd.s32 $0x2000, s5;
	[dreg:$0xb] =	wrdreg s17  }
0x13: {  	s8 =	simm.s32 $0x13000;
	s19 =	sadd.s32 $0x2800, s5;
	[dreg:$0xc] =	wrdreg s18  }
0x14: {  	s12 =	simm.s32 $0x5;
	s20 =	sadd.s32 $0x3000, s5;
	[dreg:$0xd] =	wrdreg s19  }
0x15: {  	s14 =	simm.s32 $0x6;
	s21 =	sadd.s32 $0x3800, s5;
	[dreg:$0xe] =	wrdreg s20  }
0x16: {  	s22 =	sadd.s32 $0x4000, s5;
	s23 =	sadd.s32 $0x4800, s5;
	[dreg:$0xf] =	wrdreg s21  }
0x17: {  	s24 =	sadd.s32 $0x5000, s5;
	s25 =	sadd.s32 $0x5800, s5;
	[dreg:$0x10] =	wrdreg s22  }
0x18: {  	s26 =	sadd.s32 $0x6000, s5;
	s28 =	sadd.s32 $0x9000, s5;
	[dreg:$0x11] =	wrdreg s23  }
0x19: {  	s29 =	sadd.s32 $0x9800, s5;
	s6 =	simm.s32 $0x80;
	[dreg:$0x12] =	wrdreg s24  }
0x1a: {  	s7 =	simm.s32 $0xF000;
	s9 =	simm.s32 $0x17000;
	[dreg:$0x13] =	wrdreg s25  }
0x1b: {  	[dreg:$0x14] =	wrdreg s26;
	s22 =	sadd.s32 $0x6800, s5;
	s23 =	sadd.s32 $0x7000, s5  }
0x1c: {  	s24 =	sadd.s32 $0x7800, s5;
	s25 =	sadd.s32 $0x8000, s5;
	s26 =	sadd.s32 $0x8800, s5  }
0x1d: {  	s0 =	simm.s32 $0xC800;
	s13 =	simm.s32 $0x2;
	s15 =	simm.s32 $0x3  }
0x1e: {  	v0 =	vimm.f32 $0.0e+00;
	s16 =	simm.s32 $0x7;
	s17 =	simm.s32 $0x4;
	s18 =	simm.s32 $0x8  }
.LBB2_1:
0x1f: {  	s19 =	simm.s32 $0x0;
	s20 =	simm.s32 $0x200  }
.LBB2_2:
0x20: {  	p0 =	sne.s32 s20, $0x1E00;
	[tilespmem:s19+$0x1F070] =	vst v0  }
0x21: {  	[tilespmem:s19+$0x1F000] =	vst v0  }
0x22: {  	[tilespmem:s19+$0x1F010] =	vst v0  }
.Ltmp0:
0x23: {  	[tilespmem:s19+$0x1F020] =	vst v0;
	(pc) =	sbr.rel @p0 .LBB2_2-.Ltmp0, $4  }
0x24: {  	[tilespmem:s19+$0x1F030] =	vst v0  }
0x25: {  	[tilespmem:s19+$0x1F040] =	vst v0  }
0x26: {  	[tilespmem:s19+$0x1F050] =	vst v0  }
0x27: {  	[tilespmem:s19+$0x1F060] =	vst v0;
	s19 =	sshra.s32 s20, $0x2;
	s20 =	sadd.s32 $0x200, s20  }
0x28: {  	[tilespmem:s19+$0x1F070] =	vst v0  }
0x29: {  	[tilespmem:s19+$0x1F000] =	vst v0  }
0x2a: {  	[tilespmem:s19+$0x1F010] =	vst v0  }
0x2b: {  	[tilespmem:s19+$0x1F020] =	vst v0  }
0x2c: {  	[tilespmem:s19+$0x1F030] =	vst v0  }
0x2d: {  	[tilespmem:s19+$0x1F040] =	vst v0  }
0x2e: {  	[tilespmem:s19+$0x1F050] =	vst v0  }
0x2f: {  	[tilespmem:s19+$0x1F060] =	vst v0  }
0x30: {  	[spmem:s5] =	stream.linear.scatter [tilespmem:s30], [sflag:$0x9], $0x800, $0x38;
	[tilespmem:$0x1F800] =	vst v63  }
0x31: {  	_ =	swait.ge [sflag:s31], $0x800  }
0x32: {  	[sflag:s31] =	ssyncset.done $0x0  }
0x33: {  	s21 =	rddreg [dreg:$0x9];
	[sflag:s31] =	ssyncadd.s32 $0xFFFFF800  }
0x34: {  	[spmem:s21] =	stream.linear.scatter [tilespmem:s30], [sflag:$0x9], $0x800, $0x38;
	[tilespmem:$0x1F800] =	vst v63  }
0x35: {  	_ =	swait.ge [sflag:s31], $0x800  }
0x36: {  	[sflag:s31] =	ssyncset.done $0x0  }
0x37: {  	s20 =	rddreg [dreg:$0xa];
	[sflag:s31] =	ssyncadd.s32 $0xFFFFF800  }
0x38: {  	[spmem:s20] =	stream.linear.scatter [tilespmem:s30], [sflag:$0x9], $0x800, $0x38;
	[tilespmem:$0x1F800] =	vst v63  }
0x39: {  	_ =	swait.ge [sflag:s31], $0x800  }
0x3a: {  	[sflag:s31] =	ssyncset.done $0x0  }
0x3b: {  	s21 =	rddreg [dreg:$0xb];
	[sflag:s31] =	ssyncadd.s32 $0xFFFFF800  }
0x3c: {  	[spmem:s21] =	stream.linear.scatter [tilespmem:s30], [sflag:$0x9], $0x800, $0x38;
	[tilespmem:$0x1F800] =	vst v63  }
0x3d: {  	_ =	swait.ge [sflag:s31], $0x800  }
0x3e: {  	[sflag:s31] =	ssyncset.done $0x0  }
0x3f: {  	s20 =	rddreg [dreg:$0xc];
	[sflag:s31] =	ssyncadd.s32 $0xFFFFF800  }
0x40: {  	[spmem:s20] =	stream.linear.scatter [tilespmem:s30], [sflag:$0x9], $0x800, $0x38;
	[tilespmem:$0x1F800] =	vst v63  }
0x41: {  	_ =	swait.ge [sflag:s31], $0x800  }
0x42: {  	[sflag:s31] =	ssyncset.done $0x0  }
0x43: {  	s21 =	rddreg [dreg:$0xd];
	[sflag:s31] =	ssyncadd.s32 $0xFFFFF800  }
0x44: {  	[spmem:s21] =	stream.linear.scatter [tilespmem:s30], [sflag:$0x9], $0x800, $0x38;
	[tilespmem:$0x1F800] =	vst v63  }
0x45: {  	_ =	swait.ge [sflag:s31], $0x800  }
0x46: {  	[sflag:s31] =	ssyncset.done $0x0  }
0x47: {  	s20 =	rddreg [dreg:$0xe];
	[sflag:s31] =	ssyncadd.s32 $0xFFFFF800  }
0x48: {  	[spmem:s20] =	stream.linear.scatter [tilespmem:s30], [sflag:$0x9], $0x800, $0x38;
	[tilespmem:$0x1F800] =	vst v63  }
0x49: {  	_ =	swait.ge [sflag:s31], $0x800  }
0x4a: {  	[sflag:s31] =	ssyncset.done $0x0  }
0x4b: {  	s21 =	rddreg [dreg:$0xf];
	[sflag:s31] =	ssyncadd.s32 $0xFFFFF800  }
0x4c: {  	[spmem:s21] =	stream.linear.scatter [tilespmem:s30], [sflag:$0x9], $0x800, $0x38;
	[tilespmem:$0x1F800] =	vst v63  }
0x4d: {  	_ =	swait.ge [sflag:s31], $0x800  }
0x4e: {  	[sflag:s31] =	ssyncset.done $0x0  }
0x4f: {  	s20 =	rddreg [dreg:$0x10];
	[sflag:s31] =	ssyncadd.s32 $0xFFFFF800  }
0x50: {  	[spmem:s20] =	stream.linear.scatter [tilespmem:s30], [sflag:$0x9], $0x800, $0x38;
	[tilespmem:$0x1F800] =	vst v63  }
0x51: {  	_ =	swait.ge [sflag:s31], $0x800  }
0x52: {  	[sflag:s31] =	ssyncset.done $0x0  }
0x53: {  	s21 =	rddreg [dreg:$0x11];
	[sflag:s31] =	ssyncadd.s32 $0xFFFFF800  }
0x54: {  	[spmem:s21] =	stream.linear.scatter [tilespmem:s30], [sflag:$0x9], $0x800, $0x38;
	[tilespmem:$0x1F800] =	vst v63  }
0x55: {  	_ =	swait.ge [sflag:s31], $0x800  }
0x56: {  	[sflag:s31] =	ssyncset.done $0x0  }
0x57: {  	s20 =	rddreg [dreg:$0x12];
	[sflag:s31] =	ssyncadd.s32 $0xFFFFF800  }
0x58: {  	[spmem:s20] =	stream.linear.scatter [tilespmem:s30], [sflag:$0x9], $0x800, $0x38;
	[tilespmem:$0x1F800] =	vst v63  }
0x59: {  	_ =	swait.ge [sflag:s31], $0x800  }
0x5a: {  	[sflag:s31] =	ssyncset.done $0x0  }
0x5b: {  	s21 =	rddreg [dreg:$0x13];
	[sflag:s31] =	ssyncadd.s32 $0xFFFFF800  }
0x5c: {  	[spmem:s21] =	stream.linear.scatter [tilespmem:s30], [sflag:$0x9], $0x800, $0x38;
	[tilespmem:$0x1F800] =	vst v63  }
0x5d: {  	_ =	swait.ge [sflag:s31], $0x800  }
0x5e: {  	[sflag:s31] =	ssyncset.done $0x0  }
0x5f: {  	s20 =	rddreg [dreg:$0x14];
	[sflag:s31] =	ssyncadd.s32 $0xFFFFF800  }
0x60: {  	[spmem:s20] =	stream.linear.scatter [tilespmem:s30], [sflag:$0x9], $0x800, $0x38;
	[tilespmem:$0x1F800] =	vst v63  }
0x61: {  	_ =	swait.ge [sflag:s31], $0x800  }
0x62: {  	[sflag:s31] =	ssyncset.done $0x0  }
0x63: {  	[sflag:s31] =	ssyncadd.s32 $0xFFFFF800  }
0x64: {  	[spmem:s22] =	stream.linear.scatter [tilespmem:s30], [sflag:$0x9], $0x800, $0x38;
	[tilespmem:$0x1F800] =	vst v63  }
0x65: {  	_ =	swait.ge [sflag:s31], $0x800  }
0x66: {  	[sflag:s31] =	ssyncset.done $0x0  }
0x67: {  	[sflag:s31] =	ssyncadd.s32 $0xFFFFF800  }
0x68: {  	[spmem:s23] =	stream.linear.scatter [tilespmem:s30], [sflag:$0x9], $0x800, $0x38;
	[tilespmem:$0x1F800] =	vst v63  }
0x69: {  	_ =	swait.ge [sflag:s31], $0x800  }
0x6a: {  	[sflag:s31] =	ssyncset.done $0x0  }
0x6b: {  	[sflag:s31] =	ssyncadd.s32 $0xFFFFF800  }
0x6c: {  	[spmem:s24] =	stream.linear.scatter [tilespmem:s30], [sflag:$0x9], $0x800, $0x38;
	[tilespmem:$0x1F800] =	vst v63  }
0x6d: {  	_ =	swait.ge [sflag:s31], $0x800  }
0x6e: {  	[sflag:s31] =	ssyncset.done $0x0  }
0x6f: {  	[sflag:s31] =	ssyncadd.s32 $0xFFFFF800  }
0x70: {  	[spmem:s25] =	stream.linear.scatter [tilespmem:s30], [sflag:$0x9], $0x800, $0x38;
	[tilespmem:$0x1F800] =	vst v63  }
0x71: {  	_ =	swait.ge [sflag:s31], $0x800  }
0x72: {  	[sflag:s31] =	ssyncset.done $0x0  }
0x73: {  	[sflag:s31] =	ssyncadd.s32 $0xFFFFF800  }
0x74: {  	[spmem:s26] =	stream.linear.scatter [tilespmem:s30], [sflag:$0x9], $0x800, $0x38;
	[tilespmem:$0x1F800] =	vst v63  }
0x75: {  	_ =	swait.ge [sflag:s31], $0x800  }
0x76: {  	[sflag:s31] =	ssyncset.done $0x0  }
0x77: {  	[sflag:s31] =	ssyncadd.s32 $0xFFFFF800  }
0x78: {  	[spmem:s28] =	stream.linear.scatter [tilespmem:s30], [sflag:$0x9], $0x800, $0x38;
	[tilespmem:$0x1F800] =	vst v63  }
0x79: {  	_ =	swait.ge [sflag:s31], $0x800  }
0x7a: {  	[sflag:s31] =	ssyncset.done $0x0  }
0x7b: {  	[sflag:s31] =	ssyncadd.s32 $0xFFFFF800  }
0x7c: {  	[spmem:s29] =	stream.linear.scatter [tilespmem:s30], [sflag:$0x9], $0x800, $0x38;
	[tilespmem:$0x1F800] =	vst v63  }
0x7d: {  	_ =	swait.ge [sflag:s31], $0x800  }
0x7e: {  	[sflag:s31] =	ssyncset.done $0x0  }
0x7f: {  	[sflag:s31] =	ssyncadd.s32 $0xFFFFF800  }
0x80: {  	[bflag:$0x0] =	sbarrier.arrive $0xFFFF  }
0x81: {  	s19 =	simm.s32 $0x0;
	s20 =	rddreg [dreg:$0x5]  }
0x82: {  	[tilespmem:s1], [sflag:$0x9] =	stream.linear.gather [hbm4b:s20+s19], $0x2800, $0x38;
	[tilespmem:$0x1F800] =	vst v63  }
0x83: {  	_ =	swait.ge [sflag:s31], $0x2800  }
0x84: {  	[sflag:s31] =	ssyncset.done $0x0  }
0x85: {  	s21 =	rddreg [dreg:$0x6];
	[sflag:s31] =	ssyncadd.s32 $0xFFFFD800  }
0x86: {  	[tilespmem:s0], [sflag:$0x9] =	stream.linear.gather [hbm4b:s21+s19], $0x2800, $0x38;
	[tilespmem:$0x1F800] =	vst v63  }
0x87: {  	_ =	swait.ge [sflag:s31], $0x2800  }
0x88: {  	[sflag:s31] =	ssyncset.done $0x0  }
0x89: {  	[sflag:s31] =	ssyncadd.s32 $0xFFFFD800  }
0x8a: {  	[tilespmem:s7], [sflag:$0x1] =	stream.indirect.gather [hbm4b:s4+s6], $0x80, s1, s6, $0xb8;
	[tilespmem:$0x1F800] =	vst v63  }
0x8b: {  	s20 =	simm.s32 $0xA080  }
0x8c: {  	[tilespmem:s8], [sflag:$0x2] =	stream.indirect.gather [hbm4b:s4+s6], $0x80, s20, s6, $0xb8;
	[tilespmem:$0x1F800] =	vst v63  }
0x8d: {  	s21 =	simm.s32 $0xA100  }
0x8e: {  	[tilespmem:s9], [sflag:$0x3] =	stream.indirect.gather [hbm4b:s4+s6], $0x80, s21, s6, $0xb8;
	[tilespmem:$0x1F800] =	vst v63  }
0x8f: {  	s20 =	simm.s32 $0xA180  }
0x90: {  	[tilespmem:s10], [sflag:$0x4] =	stream.indirect.gather [hbm4b:s4+s6], $0x80, s20, s6, $0xb8;
	[tilespmem:$0x1F800] =	vst v63  }
0x91: {  	_ =	swait.ge [sflag:s11], $0x4000  }
0x92: {  	[sflag:s11] =	ssyncset.done $0x0  }
0x93: {  	[sflag:s11] =	ssyncadd.s32 $0xFFFFC000  }
0x94: {  	[spmem:s2] =	stream.indirect.scatter.add.f32 [tilespmem:s7], [sflag:$0x5], $0x80, s0, s6, $0xb8;
	[tilespmem:$0x1F800] =	vst v63  }
0x95: {  	_ =	swait.ge [sflag:s12], $0x4000  }
0x96: {  	[sflag:s12] =	ssyncset.done $0x0  }
0x97: {  	s21 =	simm.s32 $0xA200;
	[sflag:s12] =	ssyncadd.s32 $0xFFFFC000  }
0x98: {  	[tilespmem:s7], [sflag:$0x1] =	stream.indirect.gather [hbm4b:s4+s6], $0x80, s21, s6, $0xb8;
	[tilespmem:$0x1F800] =	vst v63  }
0x99: {  	_ =	swait.ge [sflag:s13], $0x4000  }
0x9a: {  	[sflag:s13] =	ssyncset.done $0x0  }
0x9b: {  	s20 =	simm.s32 $0xC880;
	[sflag:s13] =	ssyncadd.s32 $0xFFFFC000  }
0x9c: {  	[spmem:s2] =	stream.indirect.scatter.add.f32 [tilespmem:s8], [sflag:$0x6], $0x80, s20, s6, $0xb8;
	[tilespmem:$0x1F800] =	vst v63  }
0x9d: {  	_ =	swait.ge [sflag:s14], $0x4000  }
0x9e: {  	[sflag:s14] =	ssyncset.done $0x0  }
0x9f: {  	s21 =	simm.s32 $0xA280;
	[sflag:s14] =	ssyncadd.s32 $0xFFFFC000  }
0xa0: {  	[tilespmem:s8], [sflag:$0x2] =	stream.indirect.gather [hbm4b:s4+s6], $0x80, s21, s6, $0xb8;
	[tilespmem:$0x1F800] =	vst v63  }
0xa1: {  	_ =	swait.ge [sflag:s15], $0x4000  }
0xa2: {  	[sflag:s15] =	ssyncset.done $0x0  }
0xa3: {  	s20 =	simm.s32 $0xC900;
	[sflag:s15] =	ssyncadd.s32 $0xFFFFC000  }
0xa4: {  	[spmem:s2] =	stream.indirect.scatter.add.f32 [tilespmem:s9], [sflag:$0x7], $0x80, s20, s6, $0xb8;
	[tilespmem:$0x1F800] =	vst v63  }
0xa5: {  	_ =	swait.ge [sflag:s16], $0x4000  }
0xa6: {  	[sflag:s16] =	ssyncset.done $0x0  }
0xa7: {  	s21 =	simm.s32 $0xA300;
	[sflag:s16] =	ssyncadd.s32 $0xFFFFC000  }
0xa8: {  	[tilespmem:s9], [sflag:$0x3] =	stream.indirect.gather [hbm4b:s4+s6], $0x80, s21, s6, $0xb8;
	[tilespmem:$0x1F800] =	vst v63  }
0xa9: {  	_ =	swait.ge [sflag:s17], $0x4000  }
0xaa: {  	[sflag:s17] =	ssyncset.done $0x0  }
0xab: {  	s20 =	simm.s32 $0xC980;
	[sflag:s17] =	ssyncadd.s32 $0xFFFFC000  }
0xac: {  	[spmem:s2] =	stream.indirect.scatter.add.f32 [tilespmem:s10], [sflag:$0x8], $0x80, s20, s6, $0xb8;
	[tilespmem:$0x1F800] =	vst v63  }
0xad: {  	_ =	swait.ge [sflag:s18], $0x4000  }
0xae: {  	[sflag:s18] =	ssyncset.done $0x0  }
0xaf: {  	s21 =	simm.s32 $0xA380;
	[sflag:s18] =	ssyncadd.s32 $0xFFFFC000  }
0xb0: {  	[tilespmem:s10], [sflag:$0x4] =	stream.indirect.gather [hbm4b:s4+s6], $0x80, s21, s6, $0xb8;
	[tilespmem:$0x1F800] =	vst v63  }
0xb1: {  	_ =	swait.ge [sflag:s11], $0x4000  }
0xb2: {  	[sflag:s11] =	ssyncset.done $0x0  }
0xb3: {  	s20 =	simm.s32 $0xCA00;
	[sflag:s11] =	ssyncadd.s32 $0xFFFFC000  }
0xb4: {  	[spmem:s2] =	stream.indirect.scatter.add.f32 [tilespmem:s7], [sflag:$0x5], $0x80, s20, s6, $0xb8;
	[tilespmem:$0x1F800] =	vst v63  }
0xb5: {  	_ =	swait.ge [sflag:s12], $0x4000  }
0xb6: {  	[sflag:s12] =	ssyncset.done $0x0  }
0xb7: {  	s21 =	simm.s32 $0xA400;
	[sflag:s12] =	ssyncadd.s32 $0xFFFFC000  }
0xb8: {  	[tilespmem:s7], [sflag:$0x1] =	stream.indirect.gather [hbm4b:s4+s6], $0x80, s21, s6, $0xb8;
	[tilespmem:$0x1F800] =	vst v63  }
0xb9: {  	_ =	swait.ge [sflag:s13], $0x4000  }
0xba: {  	[sflag:s13] =	ssyncset.done $0x0  }
0xbb: {  	s20 =	simm.s32 $0xCA80;
	[sflag:s13] =	ssyncadd.s32 $0xFFFFC000  }
0xbc: {  	[spmem:s2] =	stream.indirect.scatter.add.f32 [tilespmem:s8], [sflag:$0x6], $0x80, s20, s6, $0xb8;
	[tilespmem:$0x1F800] =	vst v63  }
0xbd: {  	_ =	swait.ge [sflag:s14], $0x4000  }
0xbe: {  	[sflag:s14] =	ssyncset.done $0x0  }
0xbf: {  	s21 =	simm.s32 $0xA480;
	[sflag:s14] =	ssyncadd.s32 $0xFFFFC000  }
0xc0: {  	[tilespmem:s8], [sflag:$0x2] =	stream.indirect.gather [hbm4b:s4+s6], $0x80, s21, s6, $0xb8;
	[tilespmem:$0x1F800] =	vst v63  }
0xc1: {  	_ =	swait.ge [sflag:s15], $0x4000  }
0xc2: {  	[sflag:s15] =	ssyncset.done $0x0  }
0xc3: {  	s20 =	simm.s32 $0xCB00;
	[sflag:s15] =	ssyncadd.s32 $0xFFFFC000  }
0xc4: {  	[spmem:s2] =	stream.indirect.scatter.add.f32 [tilespmem:s9], [sflag:$0x7], $0x80, s20, s6, $0xb8;
	[tilespmem:$0x1F800] =	vst v63  }
0xc5: {  	_ =	swait.ge [sflag:s16], $0x4000  }
0xc6: {  	[sflag:s16] =	ssyncset.done $0x0  }
0xc7: {  	s21 =	simm.s32 $0xA500;
	[sflag:s16] =	ssyncadd.s32 $0xFFFFC000  }
0xc8: {  	[tilespmem:s9], [sflag:$0x3] =	stream.indirect.gather [hbm4b:s4+s6], $0x80, s21, s6, $0xb8;
	[tilespmem:$0x1F800] =	vst v63  }
0xc9: {  	_ =	swait.ge [sflag:s17], $0x4000  }
0xca: {  	[sflag:s17] =	ssyncset.done $0x0  }
0xcb: {  	s19 =	simm.s32 $0x800;
	s20 =	simm.s32 $0xCB80;
	[sflag:s17] =	ssyncadd.s32 $0xFFFFC000  }
.LBB2_4:
0xcc: {  	[spmem:s2] =	stream.indirect.scatter.add.f32 [tilespmem:s10], [sflag:$0x8], $0x80, s20, s6, $0xb8;
	[tilespmem:$0x1F800] =	vst v63  }
0xcd: {  	s20 =	smov.u32 s19  }
0xce: {  	p0 =	sne.s32 s19, $0x8800;
	s19 =	sadd.s32 $0x800, s19;
	_ =	swait.ge [sflag:s18], $0x4000  }
0xcf: {  	s20 =	sshra.s32 s20, $0x2;
	[sflag:s18] =	ssyncset.done $0x0  }
0xd0: {  	s21 =	sadd.s32 $0xA380, s20;
	[sflag:s18] =	ssyncadd.s32 $0xFFFFC000  }
0xd1: {  	[tilespmem:s10], [sflag:$0x4] =	stream.indirect.gather [hbm4b:s4+s6], $0x80, s21, s6, $0xb8;
	[tilespmem:$0x1F800] =	vst v63  }
0xd2: {  	_ =	swait.ge [sflag:s11], $0x4000  }
0xd3: {  	[sflag:s11] =	ssyncset.done $0x0  }
0xd4: {  	s21 =	sadd.s32 $0xCA00, s20;
	[sflag:s11] =	ssyncadd.s32 $0xFFFFC000  }
0xd5: {  	[spmem:s2] =	stream.indirect.scatter.add.f32 [tilespmem:s7], [sflag:$0x5], $0x80, s21, s6, $0xb8;
	[tilespmem:$0x1F800] =	vst v63  }
0xd6: {  	_ =	swait.ge [sflag:s12], $0x4000  }
0xd7: {  	[sflag:s12] =	ssyncset.done $0x0  }
0xd8: {  	s21 =	sadd.s32 $0xA400, s20;
	[sflag:s12] =	ssyncadd.s32 $0xFFFFC000  }
0xd9: {  	[tilespmem:s7], [sflag:$0x1] =	stream.indirect.gather [hbm4b:s4+s6], $0x80, s21, s6, $0xb8;
	[tilespmem:$0x1F800] =	vst v63  }
0xda: {  	_ =	swait.ge [sflag:s13], $0x4000  }
0xdb: {  	[sflag:s13] =	ssyncset.done $0x0  }
0xdc: {  	s21 =	sadd.s32 $0xCA80, s20;
	[sflag:s13] =	ssyncadd.s32 $0xFFFFC000  }
0xdd: {  	[spmem:s2] =	stream.indirect.scatter.add.f32 [tilespmem:s8], [sflag:$0x6], $0x80, s21, s6, $0xb8;
	[tilespmem:$0x1F800] =	vst v63  }
0xde: {  	_ =	swait.ge [sflag:s14], $0x4000  }
0xdf: {  	[sflag:s14] =	ssyncset.done $0x0  }
0xe0: {  	s21 =	sadd.s32 $0xA480, s20;
	[sflag:s14] =	ssyncadd.s32 $0xFFFFC000  }
0xe1: {  	[tilespmem:s8], [sflag:$0x2] =	stream.indirect.gather [hbm4b:s4+s6], $0x80, s21, s6, $0xb8;
	[tilespmem:$0x1F800] =	vst v63  }
0xe2: {  	_ =	swait.ge [sflag:s15], $0x4000  }
0xe3: {  	[sflag:s15] =	ssyncset.done $0x0  }
0xe4: {  	s21 =	sadd.s32 $0xCB00, s20;
	[sflag:s15] =	ssyncadd.s32 $0xFFFFC000  }
0xe5: {  	[spmem:s2] =	stream.indirect.scatter.add.f32 [tilespmem:s9], [sflag:$0x7], $0x80, s21, s6, $0xb8;
	[tilespmem:$0x1F800] =	vst v63  }
0xe6: {  	_ =	swait.ge [sflag:s16], $0x4000  }
0xe7: {  	[sflag:s16] =	ssyncset.done $0x0  }
.Ltmp1:
0xe8: {  	s21 =	sadd.s32 $0xA500, s20;
	[sflag:s16] =	ssyncadd.s32 $0xFFFFC000;
	(pc) =	sbr.rel @p0 .LBB2_4-.Ltmp1, $4  }
0xe9: {  	[tilespmem:s9], [sflag:$0x3] =	stream.indirect.gather [hbm4b:s4+s6], $0x80, s21, s6, $0xb8;
	[tilespmem:$0x1F800] =	vst v63  }
0xea: {  	_ =	swait.ge [sflag:s17], $0x4000  }
0xeb: {  	[sflag:s17] =	ssyncset.done $0x0  }
0xec: {  	s20 =	sadd.s32 $0xCB80, s20;
	[sflag:s17] =	ssyncadd.s32 $0xFFFFC000  }
0xed: {  	[spmem:s2] =	stream.indirect.scatter.add.f32 [tilespmem:s10], [sflag:$0x8], $0x80, s20, s6, $0xb8;
	[tilespmem:$0x1F800] =	vst v63  }
0xee: {  	_ =	swait.ge [sflag:s18], $0x4000  }
0xef: {  	[sflag:s18] =	ssyncset.done $0x0  }
0xf0: {  	s19 =	simm.s32 $0xC780;
	[sflag:s18] =	ssyncadd.s32 $0xFFFFC000  }
0xf1: {  	[tilespmem:s10], [sflag:$0x4] =	stream.indirect.gather [hbm4b:s4+s6], $0x80, s19, s6, $0xb8;
	[tilespmem:$0x1F800] =	vst v63  }
0xf2: {  	_ =	swait.ge [sflag:s11], $0x4000  }
0xf3: {  	[sflag:s11] =	ssyncset.done $0x0  }
0xf4: {  	s20 =	simm.s32 $0xEE00;
	[sflag:s11] =	ssyncadd.s32 $0xFFFFC000  }
0xf5: {  	[spmem:s2] =	stream.indirect.scatter.add.f32 [tilespmem:s7], [sflag:$0x5], $0x80, s20, s6, $0xb8;
	[tilespmem:$0x1F800] =	vst v63  }
0xf6: {  	_ =	swait.ge [sflag:s12], $0x4000  }
0xf7: {  	[sflag:s12] =	ssyncset.done $0x0  }
0xf8: {  	[sflag:s12] =	ssyncadd.s32 $0xFFFFC000  }
0xf9: {  	_ =	swait.ge [sflag:s13], $0x4000  }
0xfa: {  	[sflag:s13] =	ssyncset.done $0x0  }
0xfb: {  	s21 =	simm.s32 $0xEE80;
	[sflag:s13] =	ssyncadd.s32 $0xFFFFC000  }
0xfc: {  	[spmem:s2] =	stream.indirect.scatter.add.f32 [tilespmem:s8], [sflag:$0x6], $0x80, s21, s6, $0xb8;
	[tilespmem:$0x1F800] =	vst v63  }
0xfd: {  	_ =	swait.ge [sflag:s14], $0x4000  }
0xfe: {  	[sflag:s14] =	ssyncset.done $0x0  }
0xff: {  	[sflag:s14] =	ssyncadd.s32 $0xFFFFC000  }
0x100: {  	_ =	swait.ge [sflag:s15], $0x4000  }
0x101: {  	[sflag:s15] =	ssyncset.done $0x0  }
0x102: {  	s20 =	simm.s32 $0xEF00;
	[sflag:s15] =	ssyncadd.s32 $0xFFFFC000  }
0x103: {  	[spmem:s2] =	stream.indirect.scatter.add.f32 [tilespmem:s9], [sflag:$0x7], $0x80, s20, s6, $0xb8;
	[tilespmem:$0x1F800] =	vst v63  }
0x104: {  	_ =	swait.ge [sflag:s16], $0x4000  }
0x105: {  	[sflag:s16] =	ssyncset.done $0x0  }
0x106: {  	[sflag:s16] =	ssyncadd.s32 $0xFFFFC000  }
0x107: {  	_ =	swait.ge [sflag:s17], $0x4000  }
0x108: {  	[sflag:s17] =	ssyncset.done $0x0  }
0x109: {  	s21 =	simm.s32 $0xEF80;
	[sflag:s17] =	ssyncadd.s32 $0xFFFFC000  }
0x10a: {  	[spmem:s2] =	stream.indirect.scatter.add.f32 [tilespmem:s10], [sflag:$0x8], $0x80, s21, s6, $0xb8;
	[tilespmem:$0x1F800] =	vst v63  }
0x10b: {  	_ =	swait.ge [sflag:s18], $0x4000  }
0x10c: {  	[sflag:s18] =	ssyncset.done $0x0  }
0x10d: {  	s20 =	stileid.u32;
	[sflag:s18] =	ssyncadd.s32 $0xFFFFC000  }
0x10e: {  	s19 =	sshll.u32 s20, $0x6;
	[bflag:$0x0] =	sbarrier.arrive $0xFFFF  }
0x10f: {  	s20 =	sshrl.u32 s5, $0x3;
	s19 =	sor.u32 $0x1C09, s19;
	s21 =	rddreg [dreg:$0x7]  }
0x110: {  	[hbm:s21], [sflag:s19] =	dma.local [spmem:s20], $0x1400  }
0x111: {  	_ =	swait.ge [sflag:s31], $0x1400  }
0x112: {  	s3 =	sadd.s32 $0x1, s3;
	s21 =	rddreg [dreg:$0x8]  }
0x113: {  	p0 =	sne.s32 s3, s21  }
.Ltmp2:
0x114: {  	_ = 	snop;
	(pc) =	sbr.rel @p0 .LBB2_1-.Ltmp2, $3  }
0x115: {  	_ =	sdelay $0x1  }
0x116: {  	[sflag:s31] =	ssyncset.done $0x0  }
0x117: {  	[sflag:s31] =	ssyncadd.s32 $0xFFFFEC00  }
0x118: {  	_ =	sfence.sel $0x180000  }
0x119: {  	[bflag:$0x0] =	sbarrier.arrive $0xFFFF  }
0x11a: {  	_ =	strace $0x9000004D  }
0x11b: {  	s0 =	stileid.u32;
	[bflag:$0x2] =	sbarrier.arrive $0xFFFF  }
0x11c: {  	p0 =	sne.s32 s0, $0x0;
	s0 =	rddreg [dreg:$0x4]  }
0x11d: {  	s0 =	sadd.s32 @!p0 $0x100000, s0  }
0x11e: {  	[sflag:s0] =	ssyncadd.tile.s32 @!p0 $0x1;
	_ =	shalt  }
.Lfunc_end2:
_tile_overlayer_lowered:
.L_overlay_start_2:
0x11f: {  	(tag) =	ssettag $0x2  }
0x120: {  	s0 =	rddreg [dreg:$0x0];
	s2 =	stileid.u32  }
0x121: {  	s1 =	rddreg [dreg:$0x1];
	p0 =	sne.s32 s2, $0x0  }
0x122: {  	s3 =	rddreg [dreg:$0x2];
	[bflag:$0x3] =	sbarrier.arrive $0xFFFF;
	s2 =	simm.s32 @!p0 $0x1C09  }
0x123: {  	[timem:s3], [sflag:s2] =	dma.local @!p0 [hbm:s0], s1  }
0x124: {  	s0 =	simm.s32 @!p0 $0x9  }
0x125: {  	_ =	swait.ge @!p0 [sflag:s0], s1  }
0x126: {  	s1 =	ssub.s32 @!p0 $0x0, s1;
	[sflag:s0] =	ssyncset.done @!p0 $0x0  }
0x127: {  	[sflag:s0] =	ssyncadd.s32 @!p0 s1  }
0x128: {  	[bflag:$0x3] =	sbarrier.arrive $0xFFFF  }
0x129: {  	_ =	shalt  }

// kernel: kernel.8.cloned.1.call-start
scs
__scs_entry_jumppad:
0x0: {  	(pc) =	sbr.rel $0x88, $3  }
0x1: {  	(tag) =	ssettag $0x0;
	lr =	simm.s32 $0x1  }
0x2: {  	[smem:$0x3F9D] =	sst lr;
	_ =	strace $0xD0000000  }
0x3: {  	_ = 	snop  }
0x4: {  	_ = 	snop  }
0x5: {  	_ = 	snop  }
0x6: {  	_ = 	snop  }
0x7: {  	_ = 	snop  }
__scs_overlays_trampoline_lowered:
0x8: {  	[smem:$0x3FAC] =	sst s0  }
0x9: {  	[smem:$0x3FAD] =	sst s1  }
0xa: {  	[smem:$0x3FAE] =	sst s2  }
0xb: {  	[smem:$0x3FAF] =	sst s3  }
0xc: {  	[smem:$0x3FB0] =	sst s4  }
0xd: {  	[smem:$0x3FB1] =	sst s5  }
0xe: {  	[smem:$0x3FB2] =	sst s6  }
0xf: {  	[smem:$0x3FB3] =	sst s7  }
0x10: {  	[smem:$0x3FB4] =	sst s8  }
0x11: {  	[smem:$0x3FB5] =	sst s9;
	s0 =	simm.s32 @!p0 $0x0  }
0x12: {  	s1 =	sld [smem:$0x3F9B];
	s0 =	simm.s32 @p0 $0x1  }
0x13: {  	[smem:$0x3FB6] =	sst s0;
	s0 =	simm.s32 @!p1 $0x0  }
0x14: {  	s2 =	sld [smem:$0x3F9A];
	s0 =	simm.s32 @p1 $0x1  }
0x15: {  	[smem:$0x3FB7] =	sst s0;
	s0 =	simm.s32 @!p2 $0x0  }
0x16: {  	s3 =	sld [smem:$0x3FDB];
	s0 =	simm.s32 @p2 $0x1  }
0x17: {  	s4 =	simm.s32 $0x1BF5;
	[smem:$0x3FB9] =	sst s0  }
0x18: {  	s0 =	sld [smem:$0x3F9C];
	_ =	swait.ge [sflag:s4], $0x0  }
0x19: {  	s7 =	sld [smem:$0x3F9D]  }
0x1a: {  	s8 =	sadd.s32 $0xFFFFE003, lr  }
0x1b: {  	s9 =	sadd.s32 $0xFFFFFEF7, lr;
	s5 =	simm.s32 $0xFFFFFFFF;
	p2 =	slt.u32 s8, $0xFFFFF086  }
0x1c: {  	p1 =	slt.u32 s9, $0xF7A;
	s5 =	simm.s32 @!p2 $0x0  }
0x1d: {  	s5 =	simm.s32 @p1 $0x1;
	p0 =	seq.s32 s7, s2  }
0x1e: {  	s7 =	smul.u32 @!p0 $0xF7A, s2;
	p2 =	seq.s32 @!p0 s5, $0x0  }
0x1f: {  	s9 =	smul.u32 $0xF7A, s1;
	s8 =	simm.s32 @!p0 $0x1BF5;
	p2 =	por !p2, p0  }
0x20: {  	[sflag:s8] =	ssyncset.s32 @!p0 $0xFFFFF086;
	s6 =	sadd.s32 @!p0 s3, s7;
	s7 =	simm.s32 @!p0 $0x108  }
0x21: {  	s3 =	sadd.s32 s3, s9;
	s6 =	sadd.s32 @!p0 $0x88, s6;
	s7 =	simm.s32 @p2 $0x1082  }
0x22: {  	[simem:s7], [sflag:s8] =	dma.local @!p0 [hbm:s6], $0xF7A  }
0x23: {  	s9 =	sor.u32 $0xD0000000, s2;
	s6 =	simm.s32 $0x108;
	_ =	swait.ge @!p0 [sflag:s8], $0x0  }
0x24: {  	s3 =	sadd.s32 $0x88, s3;
	s6 =	simm.s32 @!p1 $0x1082;
	[sflag:s4] =	ssyncset.s32 $0xFFFFF086  }
0x25: {  	[simem:s6], [sflag:s4] =	dma.local [hbm:s3], $0xF7A  }
0x26: {  	[smem:$0x3F9D] =	sst s1;
	(tag) =	ssettag s2;
	_ =	strace s9  }
0x27: {  	s1 =	sld [smem:$0x3FAD]  }
0x28: {  	s2 =	sld [smem:$0x3FAE]  }
0x29: {  	s4 =	sld [smem:$0x3FB0]  }
0x2a: {  	p0 =	seq.s32 s5, $0x0;
	s5 =	sld [smem:$0x3FB1]  }
0x2b: {  	s6 =	sld [smem:$0x3FB2]  }
0x2c: {  	s7 =	sld [smem:$0x3FB3]  }
0x2d: {  	s3 =	simm.s32 $0x108;
	s8 =	sld [smem:$0x3FB4]  }
0x2e: {  	s3 =	simm.s32 @!p0 $0x1082;
	s9 =	sld [smem:$0x3FB5]  }
0x2f: {  	lr =	sadd.s32 s0, s3;
	s0 =	sld [smem:$0x3FAC]  }
0x30: {  	s3 =	sld [smem:$0x3FAF]  }
0x31: {  	[smem:$0x3FB8] =	sst s10  }
0x32: {  	s10 =	sld [smem:$0x3FB6];
	_ =	sdelay $0x3  }
0x33: {  	p0 =	seq.s32 s10, $0x1;
	s10 =	sld [smem:$0x3FB8];
	_ =	sdelay $0x3  }
0x34: {  	[smem:$0x3FB8] =	sst s10  }
0x35: {  	s10 =	sld [smem:$0x3FB7];
	_ =	sdelay $0x3  }
0x36: {  	p1 =	seq.s32 s10, $0x1;
	s10 =	sld [smem:$0x3FB8];
	_ =	sdelay $0x3  }
0x37: {  	[smem:$0x3FB8] =	sst s10  }
0x38: {  	s10 =	sld [smem:$0x3FB9]  }
0x39: {  	_ = 	snop;
	(pc) =	sbr.ind lr, $3  }
0x3a: {  	_ = 	snop  }
0x3b: {  	_ = 	snop  }
0x3c: {  	p2 =	seq.s32 s10, $0x1;
	s10 =	sld [smem:$0x3FB8]  }
0x3d: {  	_ =	shalt  }
0x3e: {  	_ =	shalt  }
0x3f: {  	_ =	shalt  }
0x40: {  	_ =	shalt  }
0x41: {  	_ =	shalt  }
0x42: {  	_ =	shalt  }
0x43: {  	_ =	shalt  }
0x44: {  	_ =	shalt  }
0x45: {  	_ =	shalt  }
0x46: {  	_ =	shalt  }
0x47: {  	_ =	shalt  }
0x48: {  	_ =	shalt  }
0x49: {  	_ =	shalt  }
0x4a: {  	_ =	shalt  }
0x4b: {  	_ =	shalt  }
0x4c: {  	_ =	shalt  }
0x4d: {  	_ =	shalt  }
0x4e: {  	_ =	shalt  }
0x4f: {  	_ =	shalt  }
0x50: {  	_ =	shalt  }
0x51: {  	_ =	shalt  }
0x52: {  	_ =	shalt  }
0x53: {  	_ =	shalt  }
0x54: {  	_ =	shalt  }
0x55: {  	_ =	shalt  }
0x56: {  	_ =	shalt  }
0x57: {  	_ =	shalt  }
0x58: {  	_ =	shalt  }
0x59: {  	_ =	shalt  }
0x5a: {  	_ =	shalt  }
0x5b: {  	_ =	shalt  }
0x5c: {  	_ =	shalt  }
0x5d: {  	_ =	shalt  }
0x5e: {  	_ =	shalt  }
0x5f: {  	_ =	shalt  }
0x60: {  	_ =	shalt  }
0x61: {  	_ =	shalt  }
0x62: {  	_ =	shalt  }
0x63: {  	_ =	shalt  }
0x64: {  	_ =	shalt  }
0x65: {  	_ =	shalt  }
0x66: {  	_ =	shalt  }
0x67: {  	_ =	shalt  }
0x68: {  	_ =	shalt  }
0x69: {  	_ =	shalt  }
0x6a: {  	_ =	shalt  }
0x6b: {  	_ =	shalt  }
0x6c: {  	_ =	shalt  }
0x6d: {  	_ =	shalt  }
0x6e: {  	_ =	shalt  }
0x6f: {  	_ =	shalt  }
0x70: {  	_ =	shalt  }
0x71: {  	_ =	shalt  }
0x72: {  	_ =	shalt  }
0x73: {  	_ =	shalt  }
0x74: {  	_ =	shalt  }
0x75: {  	_ =	shalt  }
0x76: {  	_ =	shalt  }
0x77: {  	_ =	shalt  }
0x78: {  	_ =	shalt  }
0x79: {  	_ =	shalt  }
0x7a: {  	_ =	shalt  }
0x7b: {  	_ =	shalt  }
0x7c: {  	_ =	shalt  }
0x7d: {  	_ =	shalt  }
0x7e: {  	_ =	shalt  }
0x7f: {  	_ =	shalt  }
0x80: {  	_ =	shalt  }
0x81: {  	_ =	shalt  }
0x82: {  	_ =	shalt  }
0x83: {  	_ =	shalt  }
0x84: {  	_ =	shalt  }
0x85: {  	_ =	shalt  }
0x86: {  	_ =	shalt  }
0x87: {  	_ =	shalt  }
.Lfunc_end0:
.L_simem_size_0:
called_computation_lowered:
.L_overlay_start_0:
0x88: {  	s2 =	sld [smem:$0x3FD9]  }
0x89: {  	s3 =	sld [smem:$0x3FFE];
	_ =	sdelay $0x1  }
0x8a: {  	s1 =	srdreg.scid  }
0x8b: {  	s0 =	sand.u32 $0x1, s1  }
0x8c: {  	s14 =	sshll.u32 s0, $0xA;
	s2 =	sadd.s32 s3, s2  }
0x8d: {  	s2 =	sadd.s32 s2, s14  }
0x8e: {  	[smem:$0x3FC4] =	sst s2  }
0x8f: {  	_ = 	snop  }
0x90: {  	s2 =	sld [smem:$0x3FD0];
	_ =	sdelay $0x2  }
0x91: {  	s15 =	simm.s32 $0xA;
	s4 =	simm.s32 $0x10  }
0x92: {  	[smem:s4], [sflag:s15] =	dma.local [hbm:s2], $0x1  }
0x93: {  	_ =	swait.eq [sflag:s15], $0x1  }
0x94: {  	[sflag:s15] =	ssyncset.done $0x0  }
0x95: {  	[sflag:s15] =	ssyncadd.s32 $0xFFFFFFFF  }
0x96: {  	s16 =	sld [smem:$0x11];
	(tm) =	ssettm $0x1  }
0x97: {  	s17 =	sld [smem:$0x3FFB];
	_ =	sdelay $0x3  }
0x98: {  	_ =	strace s17  }
0x99: {  	s3 =	sld [smem:$0x3FFC];
	_ =	sdelay $0x3  }
0x9a: {  	_ =	strace s3  }
0x9b: {  	s3 =	sld [smem:$0x3FFD];
	_ =	sdelay $0x3  }
0x9c: {  	_ =	strace s3  }
0x9d: {  	_ =	strace $0x8FFFFFFF  }
0x9e: {  	s18 =	sld [smem:$0x3FDB];
	_ =	sdelay $0x1  }
0x9f: {  	s19 =	simm.s32 $_scs_section_size  }
0xa0: {  	s5 =	simm.s32 $_size__tile_overlayer_lowered;
	s6 =	simm.s32 $_tile_overlayer_lowered  }
0xa1: {  	s22 =	simm.s32 $0x1BFF;
	s21 =	sshll.u32 s6, $0x1;
	s3 =	sadd.s32 s19, s18  }
0xa2: {  	s7 =	simm.s32 $0x0;
	s20 =	sshll.u32 s5, $0x1;
	s5 =	sadd.s32 s21, s3  }
0xa3: {  	[timem:s7], [sflag:s22] =	dma.local [hbm:s5], s20  }
0xa4: {  	_ =	swait.ge [sflag:s22], s20  }
0xa5: {  	s4 =	ssub.s32 $0x0, s20;
	[sflag:s22] =	ssyncset.done $0x0  }
0xa6: {  	[sflag:s22] =	ssyncadd.s32 s4;
	_ =	sdelay $0x1  }
0xa7: {  	s23 =	simm.s32 $0x1B8B  }
0xa8: {  	_ =	swait.ge [sflag:s23], $0x1  }
0xa9: {  	[sflag:s23] =	ssyncset.done $0x0  }
0xaa: {  	s25 =	simm.s32 $0x1B8E;
	s24 =	sld [smem:$0x3FFE];
	[sflag:s23] =	ssyncadd.s32 $0xFFFFFFFF  }
0xab: {  	s26 =	simm.s32 $execute0_lowered;
	[smem:$0x3FD2] =	sst s25  }
0xac: {  	s5 =	sshll.u32 s26, $0x1;
	_ =	strace $0x80000046;
	[dreg:$0x1] =	wrdreg $0xFFFFFFFF  }
0xad: {  	s28 =	simm.s32 $_size_execute0_lowered;
	s3 =	sadd.s32 s3, s5;
	[dreg:$0x0] =	wrdreg $0x0  }
0xae: {  	s5 =	sshll.u32 s28, $0x1;
	[dreg:$0x2] =	wrdreg s3  }
0xaf: {  	[dreg:$0x3] =	wrdreg s5  }
0xb0: {  	[dreg:$0x4] =	wrdreg $0xC0  }
0xb1: {  	_ =	task [dreg:s7], $0x5FFFF  }
0xb2: {  	[dreg:$0x1] =	wrdreg $0xFFFFFFFF  }
0xb3: {  	[dreg:$0x0] =	wrdreg $0x60  }
0xb4: {  	[dreg:$0x2] =	wrdreg s16  }
0xb5: {  	[dreg:$0x3] =	wrdreg s24  }
0xb6: {  	[dreg:$0x4] =	wrdreg $0x0  }
0xb7: {  	[dreg:$0x5] =	wrdreg $0x9  }
0xb8: {  	_ =	task.clear_ibuf [dreg:s7], $0x6FFFF;
	_ =	strace $0x90000046  }
0xb9: {  	s29 =	simm.s32 $0x9;
	_ =	strace $0x80000048  }
0xba: {  	_ =	swait.ge [sflag:s29], $0x1  }
0xbb: {  	[sflag:s29] =	ssyncadd.s32 $0xFFFFFFFF  }
0xbc: {  	_ =	strace $0x90000048  }
0xbd: {  	_ =	sfence  }
0xbe: {  	s30 =	sld [smem:$0x0];
	_ =	sdelay $0x2  }
0xbf: {  	s31 =	sshll.u32 s1, $0xD;
	s1 =	sshrl.u32 s1, $0x2  }
0xc0: {  	s3 =	sand.u32 $0x4000, s31;
	s1 =	sadd.s32 s1, s30  }
0xc1: {  	s0 =	sor.u32 s3, s0;
	s1 =	sshll.u32 s1, $0x11  }
0xc2: {  	s0 =	sor.u32 s1, s0  }
0xc3: {  	s0 =	sadd.s32 $0x8F2B, s0  }
0xc4: {  	[sflag:s0] =	ssyncadd.remote.s32 $0x1  }
0xc5: {  	_ =	sfence.sel $0xFFFF  }
0xc6: {  	[dreg:$0x0] =	wrdreg $0xFFFFFFFF;
	(pc) =	sbr.abs _section_cstart, $3  }
0xc7: {  	[dreg:$0x1] =	wrdreg $0xFFFFFFFF  }
0xc8: {  	_ =	task.clear_ibuf [dreg:s7], $0x2FFFF;
	_ =	strace $0x9FFFFFFF  }
0xc9: {  	(tm) =	ssettm $0x7FFFFFFF  }
tec
execute0_lowered:
.L_overlay_start_1:
0x0: {  	(tag) =	ssettag $0x1  }
0x1: {  	s5 =	rddreg [dreg:$0x0]  }
0x2: {  	s4 =	rddreg [dreg:$0x1];
	s0 =	stileid.u32  }
0x3: {  	s1 =	srdreg.scid;
	s7 =	smul.u32 $0x1400, s0  }
0x4: {  	s2 =	rddreg [dreg:$0x2];
	s3 =	simm.s32 $0x0;
	s10 =	smul.u32 $0x2800, s0  }
0x5: {  	s11 =	simm.s32 $0x80;
	s6 =	sand.u32 $0x1, s1;
	s26 =	smul.u32 $0x28000, s0  }
0x6: {  	s12 =	simm.s32 $0x3C00;
	s1 =	rddreg [dreg:$0x3];
	s8 =	smul.u32 $0x14000, s6  }
0x7: {  	[smem:$0x7FF] =	sst s3;
	s13 =	sshll.u32 s0, $0x6;
	s9 =	smul.u32 $0x28000, s6  }
0x8: {  	_ =	strace $0x80000047;
	s6 =	ssub.s32 $0x2, s6;
	s13 =	sor.u32 $0x1C01, s13  }
0x9: {  	s28 =	sshrl.u32 s6, $0x1;
	s30 =	sshrl.u32 s26, $0x2;
	s7 =	sadd.s32 s7, s8  }
0xa: {  	s9 =	sadd.s32 s10, s9;
	s29 =	ssub.s32 s6, s28;
	s8 =	simm.s32 $0x7C00  }
0xb: {  	s10 =	simm.s32 $0x1400;
	s7 =	sadd.s32 s7, s4;
	s31 =	sshrl.u32 s9, $0x3  }
0xc: {  	s4 =	sadd.s32 s30, s2;
	s9 =	simm.s32 $0x1;
	s5 =	sadd.s32 s5, s31  }
0xd: {  	v0 =	vimm.f32 $1.000000000e+00;
	v1 =	vimm.f32 $0.0e+00;
	s6 =	sadd.s32 $0x1E00, s7;
	s7 =	smax.u32 s29, $0x1;
	s14 =	sshrl.u32 s4, $0x3  }
.LBB2_1:
0xe: {  	s15 =	simm.s32 $0x0  }
.LBB2_2:
0xf: {  	p0 =	sne.s32 s15, $0xFE00  }
.Ltmp0:
0x10: {  	_ = 	snop;
	(pc) =	sbr.rel @p0 .LBB2_2-.Ltmp0, $3  }
0x11: {  	_ =	sdelay $0x1  }
0x12: {  	s16 =	sshra.s32 s15, $0x2  }
0x13: {  	s15 =	sadd.s32 $0x200, s15;
	[tilespmem:s16+$0x3C00] =	vst v0  }
0x14: {  	s15 =	simm.s32 $0x200;
	s16 =	simm.s32 $0x0  }
.LBB2_4:
0x15: {  	p0 =	sne.s32 s15, $0x27E00;
	[tilespmem:s16+$0x7C00] =	vst v1;
	s16 =	smov.u32 s15;
	s15 =	sadd.s32 $0x200, s15  }
.Ltmp1:
0x16: {  	(pc) =	sbr.rel @p0 .LBB2_4-.Ltmp1, $2  }
0x17: {  	_ =	sdelay $0x2  }
0x18: {  	s16 =	sshra.s32 s16, $0x2  }
0x19: {  	[tilespmem:s16+$0x7C00] =	vst v1  }
0x1a: {  	[spmem:s4] =	stream.linear.scatter [tilespmem:s8], [sflag:$0x1], $0xA000, $0x38;
	[tilespmem:$0x11C00] =	vst v63  }
0x1b: {  	_ =	swait.ge [sflag:s9], $0xA000  }
0x1c: {  	[sflag:s9] =	ssyncset.done $0x0  }
0x1d: {  	[sflag:s9] =	ssyncadd.s32 $0xFFFF6000  }
0x1e: {  	s15 =	simm.s32 $0x0;
	[bflag:$0x0] =	sbarrier.arrive $0xFFFF  }
0x1f: {  	[tilespmem:s10], [sflag:$0x1] =	stream.linear.gather [hbm4b:s5+s15], $0x2800, $0x38;
	[tilespmem:$0x11C00] =	vst v63  }
0x20: {  	_ =	swait.ge [sflag:s9], $0x2800  }
0x21: {  	[sflag:s9] =	ssyncset.done $0x0  }
0x22: {  	s31 =	simm.s32 $0x1400;
	[sflag:s9] =	ssyncadd.s32 $0xFFFFD800  }
0x23: {  	[spmem:s2] =	stream.indirect.scatter.add.f32 [tilespmem:s12], [sflag:$0x1], $0x10, s31, s11, $0xb8;
	[tilespmem:$0x11C00] =	vst v63  }
0x24: {  	s15 =	simm.s32 $0x200;
	_ =	swait.ge [sflag:s9], $0x800  }
.LBB2_6:
0x25: {  	s16 =	sshra.s32 s15, $0x2;
	[sflag:s9] =	ssyncset.done $0x0;
	p0 =	sne.s32 s15, $0x9E00  }
.Ltmp2:
0x26: {  	s16 =	sadd.s32 $0x1400, s16;
	[sflag:s9] =	ssyncadd.s32 $0xFFFFF800;
	(pc) =	sbr.rel @p0 .LBB2_6-.Ltmp2, $3  }
0x27: {  	[spmem:s2] =	stream.indirect.scatter.add.f32 [tilespmem:s12], [sflag:$0x1], $0x10, s16, s11, $0xb8;
	[tilespmem:$0x11C00] =	vst v63  }
0x28: {  	s15 =	sadd.s32 $0x200, s15;
	_ =	sdelay $0x1  }
0x29: {  	_ =	swait.ge [sflag:s9], $0x800  }
0x2a: {  	[sflag:s9] =	ssyncset.done $0x0;
	s3 =	sadd.s32 $0x1, s3  }
0x2b: {  	[sflag:s9] =	ssyncadd.s32 $0xFFFFF800;
	p0 =	sne.s32 s3, s7  }
.Ltmp3:
0x2c: {  	[bflag:$0x0] =	sbarrier.arrive $0xFFFF;
	(pc) =	sbr.rel @p0 .LBB2_1-.Ltmp3, $4  }
0x2d: {  	[hbm:s6], [sflag:s13] =	dma.local [spmem:s14], $0x1400  }
0x2e: {  	_ =	swait.ge [sflag:s9], $0x1400  }
0x2f: {  	[sflag:s9] =	ssyncset.done $0x0  }
0x30: {  	[sflag:s9] =	ssyncadd.s32 $0xFFFFEC00  }
0x31: {  	_ =	sfence.sel $0x180000  }
0x32: {  	[bflag:$0x0] =	sbarrier.arrive $0xFFFF  }
0x33: {  	p0 =	sne.s32 s0, $0x0;
	_ =	strace $0x90000047  }
0x34: {  	s0 =	sadd.s32 @!p0 $0x100000, s1;
	[bflag:$0x2] =	sbarrier.arrive $0xFFFF  }
0x35: {  	[sflag:s0] =	ssyncadd.tile.s32 @!p0 $0x1;
	_ =	shalt  }
.Lfunc_end2:
_tile_overlayer_lowered:
.L_overlay_start_2:
0x36: {  	(tag) =	ssettag $0x2  }
0x37: {  	s0 =	rddreg [dreg:$0x0];
	s2 =	stileid.u32  }
0x38: {  	s1 =	rddreg [dreg:$0x1];
	p0 =	sne.s32 s2, $0x0  }
0x39: {  	s3 =	rddreg [dreg:$0x2];
	[bflag:$0x3] =	sbarrier.arrive $0xFFFF;
	s2 =	simm.s32 @!p0 $0x1C01  }
0x3a: {  	[timem:s3], [sflag:s2] =	dma.local @!p0 [hbm:s0], s1  }
0x3b: {  	s0 =	simm.s32 @!p0 $0x1  }
0x3c: {  	_ =	swait.ge @!p0 [sflag:s0], s1  }
0x3d: {  	s1 =	ssub.s32 @!p0 $0x0, s1;
	[sflag:s0] =	ssyncset.done @!p0 $0x0  }
0x3e: {  	[sflag:s0] =	ssyncadd.s32 @!p0 s1  }
0x3f: {  	[bflag:$0x3] =	sbarrier.arrive $0xFFFF  }
0x40: {  	_ =	shalt  }

</sc_bundles>
